<compile_context>
chip_gen: v7x
topology: tpu7x:2x2x1
jax: 0.10.2.dev20260603
libtpu: 0.0.44.dev20260713+nightly
codegen_flags: <defaults>
</compile_context>

<pallas_src>
import functools

import jax
import jax.numpy as jnp
from jax import lax
from jax.experimental import pallas as pl
from jax.experimental.pallas import tpu as pltpu
from jax.experimental.pallas import tpu_sc as plsc

BATCH = 4096
SEQ = 50
DIM = 128
NW = 32
COLS = BATCH // NW
NBUF = 7

_mesh = plsc.VectorSubcoreMesh(core_axis_name="c", subcore_axis_name="s")


@functools.partial(
    pl.kernel,
    mesh=_mesh,
    out_type=jax.ShapeDtypeStruct((SEQ, BATCH, DIM), jnp.float32),
    scratch_types=[
        pltpu.VMEM((SEQ, COLS), jnp.int32),
    ]
    + [pltpu.VMEM((COLS, DIM), jnp.float32)] * NBUF
    + [pltpu.SemaphoreType.DMA] * (2 * NBUF + 1),
)
def _emb_lookup(xt_hbm, weight_hbm, out_hbm, idx_v, *scratch):
    bufs = scratch[:NBUF]
    gsems = scratch[NBUF : 2 * NBUF]
    ssems = scratch[2 * NBUF : 3 * NBUF]
    isem = scratch[3 * NBUF]

    wid = lax.axis_index("s") * 2 + lax.axis_index("c")
    c0 = wid * COLS

    pltpu.async_copy(xt_hbm.at[:, pl.ds(c0, COLS)], idx_v, isem).wait()

    def gather_desc(i, b):
        return pltpu.make_async_copy(
            weight_hbm.at[idx_v.at[i]], bufs[b], gsems[b]
        )

    def scatter_desc(i, b):
        return pltpu.make_async_copy(
            bufs[b], out_hbm.at[i, pl.ds(c0, COLS)], ssems[b]
        )

    for p in range(NBUF - 1):
        gather_desc(p, p).start()

    def body(j, carry):
        for b in range(NBUF):
            i = NBUF * j + b
            nb = (b + NBUF - 1) % NBUF

            @pl.when(i >= 1)
            def _():
                scatter_desc(i - 1, nb).wait()

            @pl.when(i + NBUF - 1 < SEQ)
            def _():
                gather_desc(i + NBUF - 1, nb).start()

            gather_desc(i, b).wait()
            scatter_desc(i, b).start()
        return carry

    lax.fori_loop(0, SEQ // NBUF, body, 0)
    for i in range(SEQ - SEQ % NBUF, SEQ):
        b = i % NBUF
        nb = (b + NBUF - 1) % NBUF
        scatter_desc(i - 1, nb).wait()
        if i + NBUF - 1 < SEQ:
            gather_desc(i + NBUF - 1, nb).start()
        gather_desc(i, b).wait()
        scatter_desc(i, b).start()
    scatter_desc(SEQ - 1, (SEQ - 1) % NBUF).wait()


def kernel(x, weight):
    xt = jnp.swapaxes(x, 0, 1).astype(jnp.int32)
    out_t = _emb_lookup(xt, weight)
    return jnp.swapaxes(out_t, 0, 1)

# --- scband reference (transcript-rebuilt; emitter-appended) ---
"""Pipeline reference for scband-embedding-14491219656808 (READ-ONLY COPY).

The authoritative reference and input builder live on the scoring server;
editing this copy changes nothing except your own understanding.
"""

import jax, jax.numpy as jnp
import numpy as np

VOCAB = 100000
DIM = 128

def setup_inputs(seed: int = 0) -> dict:
    key = jax.random.key(seed)
    k_idx, k_w = jax.random.split(key)
    x = jax.random.randint(k_idx, (4096, 50), 0, VOCAB, dtype=jnp.int64 if jax.config.read('jax_enable_x64') else jnp.int32)
    weight = jax.random.normal(k_w, (VOCAB, DIM), dtype=jnp.float32)
    return {"x": x, "weight": weight}

def reference(x, weight):
    # nn.Embedding forward: gather rows of the table by index
    return jnp.take(weight, x, axis=0)

if __name__ == "__main__":
    import jax
    _d = setup_inputs()
    print(jax.jit(kernel)(*tuple(_d.values())))

</pallas_src>

<mosaic_0001>
#map = affine_map<(d0, d1) -> (0, 0)>
#map1 = affine_map<(d0, d1) -> (0, 0, 0)>
module attributes {stable_mosaic.version = 14 : i64} {
  func.func @_emb_lookup(%arg0: i32, %arg1: i32, %arg2: memref<50x4096xi32, #tpu.memory_space<hbm>>, %arg3: memref<100000x128xf32, #tpu.memory_space<hbm>>, %arg4: memref<50x4096x128xf32, #tpu.memory_space<hbm>>, %arg5: memref<50x128xi32, #tpu.memory_space<vmem>>, %arg6: memref<128x128xf32, #tpu.memory_space<vmem>>, %arg7: memref<128x128xf32, #tpu.memory_space<vmem>>, %arg8: memref<128x128xf32, #tpu.memory_space<vmem>>, %arg9: memref<128x128xf32, #tpu.memory_space<vmem>>, %arg10: memref<128x128xf32, #tpu.memory_space<vmem>>, %arg11: memref<128x128xf32, #tpu.memory_space<vmem>>, %arg12: memref<128x128xf32, #tpu.memory_space<vmem>>, %arg13: memref<!tpu.dma_semaphore, #tpu.memory_space<semaphore_mem>>, %arg14: memref<!tpu.dma_semaphore, #tpu.memory_space<semaphore_mem>>, %arg15: memref<!tpu.dma_semaphore, #tpu.memory_space<semaphore_mem>>, %arg16: memref<!tpu.dma_semaphore, #tpu.memory_space<semaphore_mem>>, %arg17: memref<!tpu.dma_semaphore, #tpu.memory_space<semaphore_mem>>, %arg18: memref<!tpu.dma_semaphore, #tpu.memory_space<semaphore_mem>>, %arg19: memref<!tpu.dma_semaphore, #tpu.memory_space<semaphore_mem>>, %arg20: memref<!tpu.dma_semaphore, #tpu.memory_space<semaphore_mem>>, %arg21: memref<!tpu.dma_semaphore, #tpu.memory_space<semaphore_mem>>, %arg22: memref<!tpu.dma_semaphore, #tpu.memory_space<semaphore_mem>>, %arg23: memref<!tpu.dma_semaphore, #tpu.memory_space<semaphore_mem>>, %arg24: memref<!tpu.dma_semaphore, #tpu.memory_space<semaphore_mem>>, %arg25: memref<!tpu.dma_semaphore, #tpu.memory_space<semaphore_mem>>, %arg26: memref<!tpu.dma_semaphore, #tpu.memory_space<semaphore_mem>>, %arg27: memref<!tpu.dma_semaphore, #tpu.memory_space<semaphore_mem>>) attributes {dimension_semantics = [#tpu.dimension_semantics<core_parallel>, #tpu.dimension_semantics<subcore_parallel>], iteration_bounds = array<i64: 2, 16>, scalar_prefetch = 0 : i64, scratch_operands = 23 : i64, tpu.core_type = #tpu.core_type<sc_vector_subcore>, window_params = [{transform_indices = #map}, {transform_indices = #map}, {transform_indices = #map1}]} {
    %mul3A = arith.constant 2 : i32
    %mul3A_0 = arith.muli %arg1, %mul3A : i32
    %add3A = arith.addi %mul3A_0, %arg0 : i32
    %mul3A_1 = arith.constant 128 : i32
    %mul3A_2 = arith.muli %add3A, %mul3A_1 : i32
    %dma_start3A = arith.constant 0 : i32
    %dma_start3A_3 = tpu.memref_slice %arg2[%dma_start3A, %mul3A_2] : memref<50x4096xi32, #tpu.memory_space<hbm>> -> memref<50x128xi32, #tpu.memory_space<hbm>>
    %dma_start3A_4 = arith.constant 0 : i32
    %dma_start3A_5 = tpu.memref_slice %arg2[%dma_start3A_4, %mul3A_2] : memref<50x4096xi32, #tpu.memory_space<hbm>> -> memref<50x128xi32, #tpu.memory_space<hbm>>
    tpu.enqueue_dma source(%dma_start3A_5 : memref<50x128xi32, #tpu.memory_space<hbm>>) target(%arg5 : memref<50x128xi32, #tpu.memory_space<vmem>>) target_semaphore(%arg27 : memref<!tpu.dma_semaphore, #tpu.memory_space<semaphore_mem>>)
    %dma_wait3A = arith.constant 0 : i32
    %dma_wait3A_6 = tpu.memref_slice %arg2[%dma_wait3A, %mul3A_2] : memref<50x4096xi32, #tpu.memory_space<hbm>> -> memref<50x128xi32, #tpu.memory_space<hbm>>
    %dma_wait3A_7 = arith.constant 0 : i32
    %dma_wait3A_8 = tpu.memref_slice %arg2[%dma_wait3A_7, %mul3A_2] : memref<50x4096xi32, #tpu.memory_space<hbm>> -> memref<50x128xi32, #tpu.memory_space<hbm>>
    tpu.wait_dma2 semaphore(%arg27 : memref<!tpu.dma_semaphore, #tpu.memory_space<semaphore_mem>>) src(%dma_wait3A_8 : memref<50x128xi32, #tpu.memory_space<hbm>>) dst(%arg5 : memref<50x128xi32, #tpu.memory_space<vmem>>)
    %dma_start3A_9 = arith.constant 0 : i32
    %dma_start3A_10 = arith.constant 0 : i32
    %dma_start3A_11 = tpu.memref_slice %arg5[%dma_start3A_9, %dma_start3A_10] : memref<50x128xi32, #tpu.memory_space<vmem>> -> memref<1x128xi32, #tpu.memory_space<vmem>>
    %dma_start3A_12 = tpu.memref_squeeze %dma_start3A_11 : memref<1x128xi32, #tpu.memory_space<vmem>> -> memref<128xi32, #tpu.memory_space<vmem>>
    %dma_start3A_13 = arith.constant 0 : i32
    %dma_start3A_14 = arith.constant 0 : i32
    %dma_start3A_15 = tpu.memref_slice %arg3[%dma_start3A_13, %dma_start3A_14] : memref<100000x128xf32, #tpu.memory_space<hbm>> -> memref<100000x128xf32, #tpu.memory_space<hbm>>
    tpu.enqueue_indirect_dma source(%dma_start3A_15 : memref<100000x128xf32, #tpu.memory_space<hbm>>) target(%arg6 : memref<128x128xf32, #tpu.memory_space<vmem>>) offsets(%dma_start3A_12 : memref<128xi32, #tpu.memory_space<vmem>>) semaphore(%arg13 : memref<!tpu.dma_semaphore, #tpu.memory_space<semaphore_mem>>)
    %dma_start3A_16 = arith.constant 1 : i32
    %dma_start3A_17 = arith.constant 0 : i32
    %dma_start3A_18 = tpu.memref_slice %arg5[%dma_start3A_16, %dma_start3A_17] : memref<50x128xi32, #tpu.memory_space<vmem>> -> memref<1x128xi32, #tpu.memory_space<vmem>>
    %dma_start3A_19 = tpu.memref_squeeze %dma_start3A_18 : memref<1x128xi32, #tpu.memory_space<vmem>> -> memref<128xi32, #tpu.memory_space<vmem>>
    %dma_start3A_20 = arith.constant 0 : i32
    %dma_start3A_21 = arith.constant 0 : i32
    %dma_start3A_22 = tpu.memref_slice %arg3[%dma_start3A_20, %dma_start3A_21] : memref<100000x128xf32, #tpu.memory_space<hbm>> -> memref<100000x128xf32, #tpu.memory_space<hbm>>
    tpu.enqueue_indirect_dma source(%dma_start3A_22 : memref<100000x128xf32, #tpu.memory_space<hbm>>) target(%arg7 : memref<128x128xf32, #tpu.memory_space<vmem>>) offsets(%dma_start3A_19 : memref<128xi32, #tpu.memory_space<vmem>>) semaphore(%arg14 : memref<!tpu.dma_semaphore, #tpu.memory_space<semaphore_mem>>)
    %dma_start3A_23 = arith.constant 2 : i32
    %dma_start3A_24 = arith.constant 0 : i32
    %dma_start3A_25 = tpu.memref_slice %arg5[%dma_start3A_23, %dma_start3A_24] : memref<50x128xi32, #tpu.memory_space<vmem>> -> memref<1x128xi32, #tpu.memory_space<vmem>>
    %dma_start3A_26 = tpu.memref_squeeze %dma_start3A_25 : memref<1x128xi32, #tpu.memory_space<vmem>> -> memref<128xi32, #tpu.memory_space<vmem>>
    %dma_start3A_27 = arith.constant 0 : i32
    %dma_start3A_28 = arith.constant 0 : i32
    %dma_start3A_29 = tpu.memref_slice %arg3[%dma_start3A_27, %dma_start3A_28] : memref<100000x128xf32, #tpu.memory_space<hbm>> -> memref<100000x128xf32, #tpu.memory_space<hbm>>
    tpu.enqueue_indirect_dma source(%dma_start3A_29 : memref<100000x128xf32, #tpu.memory_space<hbm>>) target(%arg8 : memref<128x128xf32, #tpu.memory_space<vmem>>) offsets(%dma_start3A_26 : memref<128xi32, #tpu.memory_space<vmem>>) semaphore(%arg15 : memref<!tpu.dma_semaphore, #tpu.memory_space<semaphore_mem>>)
    %dma_start3A_30 = arith.constant 3 : i32
    %dma_start3A_31 = arith.constant 0 : i32
    %dma_start3A_32 = tpu.memref_slice %arg5[%dma_start3A_30, %dma_start3A_31] : memref<50x128xi32, #tpu.memory_space<vmem>> -> memref<1x128xi32, #tpu.memory_space<vmem>>
    %dma_start3A_33 = tpu.memref_squeeze %dma_start3A_32 : memref<1x128xi32, #tpu.memory_space<vmem>> -> memref<128xi32, #tpu.memory_space<vmem>>
    %dma_start3A_34 = arith.constant 0 : i32
    %dma_start3A_35 = arith.constant 0 : i32
    %dma_start3A_36 = tpu.memref_slice %arg3[%dma_start3A_34, %dma_start3A_35] : memref<100000x128xf32, #tpu.memory_space<hbm>> -> memref<100000x128xf32, #tpu.memory_space<hbm>>
    tpu.enqueue_indirect_dma source(%dma_start3A_36 : memref<100000x128xf32, #tpu.memory_space<hbm>>) target(%arg9 : memref<128x128xf32, #tpu.memory_space<vmem>>) offsets(%dma_start3A_33 : memref<128xi32, #tpu.memory_space<vmem>>) semaphore(%arg16 : memref<!tpu.dma_semaphore, #tpu.memory_space<semaphore_mem>>)
    %dma_start3A_37 = arith.constant 4 : i32
    %dma_start3A_38 = arith.constant 0 : i32
    %dma_start3A_39 = tpu.memref_slice %arg5[%dma_start3A_37, %dma_start3A_38] : memref<50x128xi32, #tpu.memory_space<vmem>> -> memref<1x128xi32, #tpu.memory_space<vmem>>
    %dma_start3A_40 = tpu.memref_squeeze %dma_start3A_39 : memref<1x128xi32, #tpu.memory_space<vmem>> -> memref<128xi32, #tpu.memory_space<vmem>>
    %dma_start3A_41 = arith.constant 0 : i32
    %dma_start3A_42 = arith.constant 0 : i32
    %dma_start3A_43 = tpu.memref_slice %arg3[%dma_start3A_41, %dma_start3A_42] : memref<100000x128xf32, #tpu.memory_space<hbm>> -> memref<100000x128xf32, #tpu.memory_space<hbm>>
    tpu.enqueue_indirect_dma source(%dma_start3A_43 : memref<100000x128xf32, #tpu.memory_space<hbm>>) target(%arg10 : memref<128x128xf32, #tpu.memory_space<vmem>>) offsets(%dma_start3A_40 : memref<128xi32, #tpu.memory_space<vmem>>) semaphore(%arg17 : memref<!tpu.dma_semaphore, #tpu.memory_space<semaphore_mem>>)
    %dma_start3A_44 = arith.constant 5 : i32
    %dma_start3A_45 = arith.constant 0 : i32
    %dma_start3A_46 = tpu.memref_slice %arg5[%dma_start3A_44, %dma_start3A_45] : memref<50x128xi32, #tpu.memory_space<vmem>> -> memref<1x128xi32, #tpu.memory_space<vmem>>
    %dma_start3A_47 = tpu.memref_squeeze %dma_start3A_46 : memref<1x128xi32, #tpu.memory_space<vmem>> -> memref<128xi32, #tpu.memory_space<vmem>>
    %dma_start3A_48 = arith.constant 0 : i32
    %dma_start3A_49 = arith.constant 0 : i32
    %dma_start3A_50 = tpu.memref_slice %arg3[%dma_start3A_48, %dma_start3A_49] : memref<100000x128xf32, #tpu.memory_space<hbm>> -> memref<100000x128xf32, #tpu.memory_space<hbm>>
    tpu.enqueue_indirect_dma source(%dma_start3A_50 : memref<100000x128xf32, #tpu.memory_space<hbm>>) target(%arg11 : memref<128x128xf32, #tpu.memory_space<vmem>>) offsets(%dma_start3A_47 : memref<128xi32, #tpu.memory_space<vmem>>) semaphore(%arg18 : memref<!tpu.dma_semaphore, #tpu.memory_space<semaphore_mem>>)
    %scan3A = arith.constant 0 : i32
    %scan3A_51 = arith.constant 0 : i32
    %scan3A_52 = arith.constant 7 : i32
    %scan3A_53 = arith.addi %scan3A_51, %scan3A_52 : i32
    %scan3A_54 = arith.constant 1 : i32
    scf.for %scan3A_84 = %scan3A_51 to %scan3A_53 step %scan3A_54  : i32 {
      %mul3A_85 = arith.constant 7 : i32
      %mul3A_86 = arith.muli %mul3A_85, %scan3A_84 : i32
      %add3A_87 = arith.constant 0 : i32
      %add3A_88 = arith.addi %mul3A_86, %add3A_87 : i32
      %ge3A = arith.constant 1 : i32
      %ge3A_89 = arith.cmpi sge, %add3A_88, %ge3A : i32
      %convert_element_type3A = arith.extui %ge3A_89 : i1 to i32
      %cond3A = arith.constant 0 : i32
      %cond3A_90 = arith.cmpi ne, %convert_element_type3A, %cond3A : i32
      scf.if %cond3A_90 {
        %sub3A_290 = arith.constant 1 : i32
        %sub3A_291 = arith.subi %add3A_88, %sub3A_290 : i32
        %dma_wait3A_292 = arith.constant 0 : i32
        %dma_wait3A_293 = tpu.memref_slice %arg4[%sub3A_291, %mul3A_2, %dma_wait3A_292] : memref<50x4096x128xf32, #tpu.memory_space<hbm>> -> memref<1x128x128xf32, #tpu.memory_space<hbm>>
        %dma_wait3A_294 = tpu.memref_squeeze %dma_wait3A_293 : memref<1x128x128xf32, #tpu.memory_space<hbm>> -> memref<128x128xf32, #tpu.memory_space<hbm>>
        %dma_wait3A_295 = arith.constant 0 : i32
        %dma_wait3A_296 = tpu.memref_slice %arg4[%sub3A_291, %mul3A_2, %dma_wait3A_295] : memref<50x4096x128xf32, #tpu.memory_space<hbm>> -> memref<1x128x128xf32, #tpu.memory_space<hbm>>
        %dma_wait3A_297 = tpu.memref_squeeze %dma_wait3A_296 : memref<1x128x128xf32, #tpu.memory_space<hbm>> -> memref<128x128xf32, #tpu.memory_space<hbm>>
        tpu.wait_dma2 semaphore(%arg26 : memref<!tpu.dma_semaphore, #tpu.memory_space<semaphore_mem>>) src(%arg12 : memref<128x128xf32, #tpu.memory_space<vmem>>) dst(%dma_wait3A_297 : memref<128x128xf32, #tpu.memory_space<hbm>>)
      } else {
      }
      %add3A_91 = arith.constant 7 : i32
      %add3A_92 = arith.addi %add3A_88, %add3A_91 : i32
      %sub3A = arith.constant 1 : i32
      %sub3A_93 = arith.subi %add3A_92, %sub3A : i32
      %lt3A = arith.constant 50 : i32
      %lt3A_94 = arith.cmpi slt, %sub3A_93, %lt3A : i32
      %convert_element_type3A_95 = arith.extui %lt3A_94 : i1 to i32
      %cond3A_96 = arith.constant 0 : i32
      %cond3A_97 = arith.cmpi ne, %convert_element_type3A_95, %cond3A_96 : i32
      scf.if %cond3A_97 {
        %add3A_290 = arith.constant 7 : i32
        %add3A_291 = arith.addi %add3A_88, %add3A_290 : i32
        %sub3A_292 = arith.constant 1 : i32
        %sub3A_293 = arith.subi %add3A_291, %sub3A_292 : i32
        %dma_start3A_294 = arith.constant 0 : i32
        %dma_start3A_295 = tpu.memref_slice %arg5[%sub3A_293, %dma_start3A_294] : memref<50x128xi32, #tpu.memory_space<vmem>> -> memref<1x128xi32, #tpu.memory_space<vmem>>
        %dma_start3A_296 = tpu.memref_squeeze %dma_start3A_295 : memref<1x128xi32, #tpu.memory_space<vmem>> -> memref<128xi32, #tpu.memory_space<vmem>>
        %dma_start3A_297 = arith.constant 0 : i32
        %dma_start3A_298 = arith.constant 0 : i32
        %dma_start3A_299 = tpu.memref_slice %arg3[%dma_start3A_297, %dma_start3A_298] : memref<100000x128xf32, #tpu.memory_space<hbm>> -> memref<100000x128xf32, #tpu.memory_space<hbm>>
        tpu.enqueue_indirect_dma source(%dma_start3A_299 : memref<100000x128xf32, #tpu.memory_space<hbm>>) target(%arg12 : memref<128x128xf32, #tpu.memory_space<vmem>>) offsets(%dma_start3A_296 : memref<128xi32, #tpu.memory_space<vmem>>) semaphore(%arg19 : memref<!tpu.dma_semaphore, #tpu.memory_space<semaphore_mem>>)
      } else {
      }
      %dma_wait3A_98 = arith.constant 0 : i32
      %dma_wait3A_99 = tpu.memref_slice %arg5[%add3A_88, %dma_wait3A_98] : memref<50x128xi32, #tpu.memory_space<vmem>> -> memref<1x128xi32, #tpu.memory_space<vmem>>
      %dma_wait3A_100 = tpu.memref_squeeze %dma_wait3A_99 : memref<1x128xi32, #tpu.memory_space<vmem>> -> memref<128xi32, #tpu.memory_space<vmem>>
      %dma_wait3A_101 = arith.constant 0 : i32
      %dma_wait3A_102 = arith.constant 0 : i32
      %dma_wait3A_103 = tpu.memref_slice %arg3[%dma_wait3A_101, %dma_wait3A_102] : memref<100000x128xf32, #tpu.memory_space<hbm>> -> memref<100000x128xf32, #tpu.memory_space<hbm>>
      tpu.wait_indirect_dma semaphore(%arg13 : memref<!tpu.dma_semaphore, #tpu.memory_space<semaphore_mem>>) src(%dma_wait3A_103 : memref<100000x128xf32, #tpu.memory_space<hbm>>) dst(%arg6 : memref<128x128xf32, #tpu.memory_space<vmem>>)
      %dma_start3A_104 = arith.constant 0 : i32
      %dma_start3A_105 = tpu.memref_slice %arg4[%add3A_88, %mul3A_2, %dma_start3A_104] : memref<50x4096x128xf32, #tpu.memory_space<hbm>> -> memref<1x128x128xf32, #tpu.memory_space<hbm>>
      %dma_start3A_106 = tpu.memref_squeeze %dma_start3A_105 : memref<1x128x128xf32, #tpu.memory_space<hbm>> -> memref<128x128xf32, #tpu.memory_space<hbm>>
      %dma_start3A_107 = arith.constant 0 : i32
      %dma_start3A_108 = tpu.memref_slice %arg4[%add3A_88, %mul3A_2, %dma_start3A_107] : memref<50x4096x128xf32, #tpu.memory_space<hbm>> -> memref<1x128x128xf32, #tpu.memory_space<hbm>>
      %dma_start3A_109 = tpu.memref_squeeze %dma_start3A_108 : memref<1x128x128xf32, #tpu.memory_space<hbm>> -> memref<128x128xf32, #tpu.memory_space<hbm>>
      tpu.enqueue_dma source(%arg6 : memref<128x128xf32, #tpu.memory_space<vmem>>) target(%dma_start3A_109 : memref<128x128xf32, #tpu.memory_space<hbm>>) target_semaphore(%arg20 : memref<!tpu.dma_semaphore, #tpu.memory_space<semaphore_mem>>)
      %mul3A_110 = arith.constant 7 : i32
      %mul3A_111 = arith.muli %mul3A_110, %scan3A_84 : i32
      %add3A_112 = arith.constant 1 : i32
      %add3A_113 = arith.addi %mul3A_111, %add3A_112 : i32
      %ge3A_114 = arith.constant 1 : i32
      %ge3A_115 = arith.cmpi sge, %add3A_113, %ge3A_114 : i32
      %convert_element_type3A_116 = arith.extui %ge3A_115 : i1 to i32
      %cond3A_117 = arith.constant 0 : i32
      %cond3A_118 = arith.cmpi ne, %convert_element_type3A_116, %cond3A_117 : i32
      scf.if %cond3A_118 {
        %sub3A_290 = arith.constant 1 : i32
        %sub3A_291 = arith.subi %add3A_113, %sub3A_290 : i32
        %dma_wait3A_292 = arith.constant 0 : i32
        %dma_wait3A_293 = tpu.memref_slice %arg4[%sub3A_291, %mul3A_2, %dma_wait3A_292] : memref<50x4096x128xf32, #tpu.memory_space<hbm>> -> memref<1x128x128xf32, #tpu.memory_space<hbm>>
        %dma_wait3A_294 = tpu.memref_squeeze %dma_wait3A_293 : memref<1x128x128xf32, #tpu.memory_space<hbm>> -> memref<128x128xf32, #tpu.memory_space<hbm>>
        %dma_wait3A_295 = arith.constant 0 : i32
        %dma_wait3A_296 = tpu.memref_slice %arg4[%sub3A_291, %mul3A_2, %dma_wait3A_295] : memref<50x4096x128xf32, #tpu.memory_space<hbm>> -> memref<1x128x128xf32, #tpu.memory_space<hbm>>
        %dma_wait3A_297 = tpu.memref_squeeze %dma_wait3A_296 : memref<1x128x128xf32, #tpu.memory_space<hbm>> -> memref<128x128xf32, #tpu.memory_space<hbm>>
        tpu.wait_dma2 semaphore(%arg20 : memref<!tpu.dma_semaphore, #tpu.memory_space<semaphore_mem>>) src(%arg6 : memref<128x128xf32, #tpu.memory_space<vmem>>) dst(%dma_wait3A_297 : memref<128x128xf32, #tpu.memory_space<hbm>>)
      } else {
      }
      %add3A_119 = arith.constant 7 : i32
      %add3A_120 = arith.addi %add3A_113, %add3A_119 : i32
      %sub3A_121 = arith.constant 1 : i32
      %sub3A_122 = arith.subi %add3A_120, %sub3A_121 : i32
      %lt3A_123 = arith.constant 50 : i32
      %lt3A_124 = arith.cmpi slt, %sub3A_122, %lt3A_123 : i32
      %convert_element_type3A_125 = arith.extui %lt3A_124 : i1 to i32
      %cond3A_126 = arith.constant 0 : i32
      %cond3A_127 = arith.cmpi ne, %convert_element_type3A_125, %cond3A_126 : i32
      scf.if %cond3A_127 {
        %add3A_290 = arith.constant 7 : i32
        %add3A_291 = arith.addi %add3A_113, %add3A_290 : i32
        %sub3A_292 = arith.constant 1 : i32
        %sub3A_293 = arith.subi %add3A_291, %sub3A_292 : i32
        %dma_start3A_294 = arith.constant 0 : i32
        %dma_start3A_295 = tpu.memref_slice %arg5[%sub3A_293, %dma_start3A_294] : memref<50x128xi32, #tpu.memory_space<vmem>> -> memref<1x128xi32, #tpu.memory_space<vmem>>
        %dma_start3A_296 = tpu.memref_squeeze %dma_start3A_295 : memref<1x128xi32, #tpu.memory_space<vmem>> -> memref<128xi32, #tpu.memory_space<vmem>>
        %dma_start3A_297 = arith.constant 0 : i32
        %dma_start3A_298 = arith.constant 0 : i32
        %dma_start3A_299 = tpu.memref_slice %arg3[%dma_start3A_297, %dma_start3A_298] : memref<100000x128xf32, #tpu.memory_space<hbm>> -> memref<100000x128xf32, #tpu.memory_space<hbm>>
        tpu.enqueue_indirect_dma source(%dma_start3A_299 : memref<100000x128xf32, #tpu.memory_space<hbm>>) target(%arg6 : memref<128x128xf32, #tpu.memory_space<vmem>>) offsets(%dma_start3A_296 : memref<128xi32, #tpu.memory_space<vmem>>) semaphore(%arg13 : memref<!tpu.dma_semaphore, #tpu.memory_space<semaphore_mem>>)
      } else {
      }
      %dma_wait3A_128 = arith.constant 0 : i32
      %dma_wait3A_129 = tpu.memref_slice %arg5[%add3A_113, %dma_wait3A_128] : memref<50x128xi32, #tpu.memory_space<vmem>> -> memref<1x128xi32, #tpu.memory_space<vmem>>
      %dma_wait3A_130 = tpu.memref_squeeze %dma_wait3A_129 : memref<1x128xi32, #tpu.memory_space<vmem>> -> memref<128xi32, #tpu.memory_space<vmem>>
      %dma_wait3A_131 = arith.constant 0 : i32
      %dma_wait3A_132 = arith.constant 0 : i32
      %dma_wait3A_133 = tpu.memref_slice %arg3[%dma_wait3A_131, %dma_wait3A_132] : memref<100000x128xf32, #tpu.memory_space<hbm>> -> memref<100000x128xf32, #tpu.memory_space<hbm>>
      tpu.wait_indirect_dma semaphore(%arg14 : memref<!tpu.dma_semaphore, #tpu.memory_space<semaphore_mem>>) src(%dma_wait3A_133 : memref<100000x128xf32, #tpu.memory_space<hbm>>) dst(%arg7 : memref<128x128xf32, #tpu.memory_space<vmem>>)
      %dma_start3A_134 = arith.constant 0 : i32
      %dma_start3A_135 = tpu.memref_slice %arg4[%add3A_113, %mul3A_2, %dma_start3A_134] : memref<50x4096x128xf32, #tpu.memory_space<hbm>> -> memref<1x128x128xf32, #tpu.memory_space<hbm>>
      %dma_start3A_136 = tpu.memref_squeeze %dma_start3A_135 : memref<1x128x128xf32, #tpu.memory_space<hbm>> -> memref<128x128xf32, #tpu.memory_space<hbm>>
      %dma_start3A_137 = arith.constant 0 : i32
      %dma_start3A_138 = tpu.memref_slice %arg4[%add3A_113, %mul3A_2, %dma_start3A_137] : memref<50x4096x128xf32, #tpu.memory_space<hbm>> -> memref<1x128x128xf32, #tpu.memory_space<hbm>>
      %dma_start3A_139 = tpu.memref_squeeze %dma_start3A_138 : memref<1x128x128xf32, #tpu.memory_space<hbm>> -> memref<128x128xf32, #tpu.memory_space<hbm>>
      tpu.enqueue_dma source(%arg7 : memref<128x128xf32, #tpu.memory_space<vmem>>) target(%dma_start3A_139 : memref<128x128xf32, #tpu.memory_space<hbm>>) target_semaphore(%arg21 : memref<!tpu.dma_semaphore, #tpu.memory_space<semaphore_mem>>)
      %mul3A_140 = arith.constant 7 : i32
      %mul3A_141 = arith.muli %mul3A_140, %scan3A_84 : i32
      %add3A_142 = arith.constant 2 : i32
      %add3A_143 = arith.addi %mul3A_141, %add3A_142 : i32
      %ge3A_144 = arith.constant 1 : i32
      %ge3A_145 = arith.cmpi sge, %add3A_143, %ge3A_144 : i32
      %convert_element_type3A_146 = arith.extui %ge3A_145 : i1 to i32
      %cond3A_147 = arith.constant 0 : i32
      %cond3A_148 = arith.cmpi ne, %convert_element_type3A_146, %cond3A_147 : i32
      scf.if %cond3A_148 {
        %sub3A_290 = arith.constant 1 : i32
        %sub3A_291 = arith.subi %add3A_143, %sub3A_290 : i32
        %dma_wait3A_292 = arith.constant 0 : i32
        %dma_wait3A_293 = tpu.memref_slice %arg4[%sub3A_291, %mul3A_2, %dma_wait3A_292] : memref<50x4096x128xf32, #tpu.memory_space<hbm>> -> memref<1x128x128xf32, #tpu.memory_space<hbm>>
        %dma_wait3A_294 = tpu.memref_squeeze %dma_wait3A_293 : memref<1x128x128xf32, #tpu.memory_space<hbm>> -> memref<128x128xf32, #tpu.memory_space<hbm>>
        %dma_wait3A_295 = arith.constant 0 : i32
        %dma_wait3A_296 = tpu.memref_slice %arg4[%sub3A_291, %mul3A_2, %dma_wait3A_295] : memref<50x4096x128xf32, #tpu.memory_space<hbm>> -> memref<1x128x128xf32, #tpu.memory_space<hbm>>
        %dma_wait3A_297 = tpu.memref_squeeze %dma_wait3A_296 : memref<1x128x128xf32, #tpu.memory_space<hbm>> -> memref<128x128xf32, #tpu.memory_space<hbm>>
        tpu.wait_dma2 semaphore(%arg21 : memref<!tpu.dma_semaphore, #tpu.memory_space<semaphore_mem>>) src(%arg7 : memref<128x128xf32, #tpu.memory_space<vmem>>) dst(%dma_wait3A_297 : memref<128x128xf32, #tpu.memory_space<hbm>>)
      } else {
      }
      %add3A_149 = arith.constant 7 : i32
      %add3A_150 = arith.addi %add3A_143, %add3A_149 : i32
      %sub3A_151 = arith.constant 1 : i32
      %sub3A_152 = arith.subi %add3A_150, %sub3A_151 : i32
      %lt3A_153 = arith.constant 50 : i32
      %lt3A_154 = arith.cmpi slt, %sub3A_152, %lt3A_153 : i32
      %convert_element_type3A_155 = arith.extui %lt3A_154 : i1 to i32
      %cond3A_156 = arith.constant 0 : i32
      %cond3A_157 = arith.cmpi ne, %convert_element_type3A_155, %cond3A_156 : i32
      scf.if %cond3A_157 {
        %add3A_290 = arith.constant 7 : i32
        %add3A_291 = arith.addi %add3A_143, %add3A_290 : i32
        %sub3A_292 = arith.constant 1 : i32
        %sub3A_293 = arith.subi %add3A_291, %sub3A_292 : i32
        %dma_start3A_294 = arith.constant 0 : i32
        %dma_start3A_295 = tpu.memref_slice %arg5[%sub3A_293, %dma_start3A_294] : memref<50x128xi32, #tpu.memory_space<vmem>> -> memref<1x128xi32, #tpu.memory_space<vmem>>
        %dma_start3A_296 = tpu.memref_squeeze %dma_start3A_295 : memref<1x128xi32, #tpu.memory_space<vmem>> -> memref<128xi32, #tpu.memory_space<vmem>>
        %dma_start3A_297 = arith.constant 0 : i32
        %dma_start3A_298 = arith.constant 0 : i32
        %dma_start3A_299 = tpu.memref_slice %arg3[%dma_start3A_297, %dma_start3A_298] : memref<100000x128xf32, #tpu.memory_space<hbm>> -> memref<100000x128xf32, #tpu.memory_space<hbm>>
        tpu.enqueue_indirect_dma source(%dma_start3A_299 : memref<100000x128xf32, #tpu.memory_space<hbm>>) target(%arg7 : memref<128x128xf32, #tpu.memory_space<vmem>>) offsets(%dma_start3A_296 : memref<128xi32, #tpu.memory_space<vmem>>) semaphore(%arg14 : memref<!tpu.dma_semaphore, #tpu.memory_space<semaphore_mem>>)
      } else {
      }
      %dma_wait3A_158 = arith.constant 0 : i32
      %dma_wait3A_159 = tpu.memref_slice %arg5[%add3A_143, %dma_wait3A_158] : memref<50x128xi32, #tpu.memory_space<vmem>> -> memref<1x128xi32, #tpu.memory_space<vmem>>
      %dma_wait3A_160 = tpu.memref_squeeze %dma_wait3A_159 : memref<1x128xi32, #tpu.memory_space<vmem>> -> memref<128xi32, #tpu.memory_space<vmem>>
      %dma_wait3A_161 = arith.constant 0 : i32
      %dma_wait3A_162 = arith.constant 0 : i32
      %dma_wait3A_163 = tpu.memref_slice %arg3[%dma_wait3A_161, %dma_wait3A_162] : memref<100000x128xf32, #tpu.memory_space<hbm>> -> memref<100000x128xf32, #tpu.memory_space<hbm>>
      tpu.wait_indirect_dma semaphore(%arg15 : memref<!tpu.dma_semaphore, #tpu.memory_space<semaphore_mem>>) src(%dma_wait3A_163 : memref<100000x128xf32, #tpu.memory_space<hbm>>) dst(%arg8 : memref<128x128xf32, #tpu.memory_space<vmem>>)
      %dma_start3A_164 = arith.constant 0 : i32
      %dma_start3A_165 = tpu.memref_slice %arg4[%add3A_143, %mul3A_2, %dma_start3A_164] : memref<50x4096x128xf32, #tpu.memory_space<hbm>> -> memref<1x128x128xf32, #tpu.memory_space<hbm>>
      %dma_start3A_166 = tpu.memref_squeeze %dma_start3A_165 : memref<1x128x128xf32, #tpu.memory_space<hbm>> -> memref<128x128xf32, #tpu.memory_space<hbm>>
      %dma_start3A_167 = arith.constant 0 : i32
      %dma_start3A_168 = tpu.memref_slice %arg4[%add3A_143, %mul3A_2, %dma_start3A_167] : memref<50x4096x128xf32, #tpu.memory_space<hbm>> -> memref<1x128x128xf32, #tpu.memory_space<hbm>>
      %dma_start3A_169 = tpu.memref_squeeze %dma_start3A_168 : memref<1x128x128xf32, #tpu.memory_space<hbm>> -> memref<128x128xf32, #tpu.memory_space<hbm>>
      tpu.enqueue_dma source(%arg8 : memref<128x128xf32, #tpu.memory_space<vmem>>) target(%dma_start3A_169 : memref<128x128xf32, #tpu.memory_space<hbm>>) target_semaphore(%arg22 : memref<!tpu.dma_semaphore, #tpu.memory_space<semaphore_mem>>)
      %mul3A_170 = arith.constant 7 : i32
      %mul3A_171 = arith.muli %mul3A_170, %scan3A_84 : i32
      %add3A_172 = arith.constant 3 : i32
      %add3A_173 = arith.addi %mul3A_171, %add3A_172 : i32
      %ge3A_174 = arith.constant 1 : i32
      %ge3A_175 = arith.cmpi sge, %add3A_173, %ge3A_174 : i32
      %convert_element_type3A_176 = arith.extui %ge3A_175 : i1 to i32
      %cond3A_177 = arith.constant 0 : i32
      %cond3A_178 = arith.cmpi ne, %convert_element_type3A_176, %cond3A_177 : i32
      scf.if %cond3A_178 {
        %sub3A_290 = arith.constant 1 : i32
        %sub3A_291 = arith.subi %add3A_173, %sub3A_290 : i32
        %dma_wait3A_292 = arith.constant 0 : i32
        %dma_wait3A_293 = tpu.memref_slice %arg4[%sub3A_291, %mul3A_2, %dma_wait3A_292] : memref<50x4096x128xf32, #tpu.memory_space<hbm>> -> memref<1x128x128xf32, #tpu.memory_space<hbm>>
        %dma_wait3A_294 = tpu.memref_squeeze %dma_wait3A_293 : memref<1x128x128xf32, #tpu.memory_space<hbm>> -> memref<128x128xf32, #tpu.memory_space<hbm>>
        %dma_wait3A_295 = arith.constant 0 : i32
        %dma_wait3A_296 = tpu.memref_slice %arg4[%sub3A_291, %mul3A_2, %dma_wait3A_295] : memref<50x4096x128xf32, #tpu.memory_space<hbm>> -> memref<1x128x128xf32, #tpu.memory_space<hbm>>
        %dma_wait3A_297 = tpu.memref_squeeze %dma_wait3A_296 : memref<1x128x128xf32, #tpu.memory_space<hbm>> -> memref<128x128xf32, #tpu.memory_space<hbm>>
        tpu.wait_dma2 semaphore(%arg22 : memref<!tpu.dma_semaphore, #tpu.memory_space<semaphore_mem>>) src(%arg8 : memref<128x128xf32, #tpu.memory_space<vmem>>) dst(%dma_wait3A_297 : memref<128x128xf32, #tpu.memory_space<hbm>>)
      } else {
      }
      %add3A_179 = arith.constant 7 : i32
      %add3A_180 = arith.addi %add3A_173, %add3A_179 : i32
      %sub3A_181 = arith.constant 1 : i32
      %sub3A_182 = arith.subi %add3A_180, %sub3A_181 : i32
      %lt3A_183 = arith.constant 50 : i32
      %lt3A_184 = arith.cmpi slt, %sub3A_182, %lt3A_183 : i32
      %convert_element_type3A_185 = arith.extui %lt3A_184 : i1 to i32
      %cond3A_186 = arith.constant 0 : i32
      %cond3A_187 = arith.cmpi ne, %convert_element_type3A_185, %cond3A_186 : i32
      scf.if %cond3A_187 {
        %add3A_290 = arith.constant 7 : i32
        %add3A_291 = arith.addi %add3A_173, %add3A_290 : i32
        %sub3A_292 = arith.constant 1 : i32
        %sub3A_293 = arith.subi %add3A_291, %sub3A_292 : i32
        %dma_start3A_294 = arith.constant 0 : i32
        %dma_start3A_295 = tpu.memref_slice %arg5[%sub3A_293, %dma_start3A_294] : memref<50x128xi32, #tpu.memory_space<vmem>> -> memref<1x128xi32, #tpu.memory_space<vmem>>
        %dma_start3A_296 = tpu.memref_squeeze %dma_start3A_295 : memref<1x128xi32, #tpu.memory_space<vmem>> -> memref<128xi32, #tpu.memory_space<vmem>>
        %dma_start3A_297 = arith.constant 0 : i32
        %dma_start3A_298 = arith.constant 0 : i32
        %dma_start3A_299 = tpu.memref_slice %arg3[%dma_start3A_297, %dma_start3A_298] : memref<100000x128xf32, #tpu.memory_space<hbm>> -> memref<100000x128xf32, #tpu.memory_space<hbm>>
        tpu.enqueue_indirect_dma source(%dma_start3A_299 : memref<100000x128xf32, #tpu.memory_space<hbm>>) target(%arg8 : memref<128x128xf32, #tpu.memory_space<vmem>>) offsets(%dma_start3A_296 : memref<128xi32, #tpu.memory_space<vmem>>) semaphore(%arg15 : memref<!tpu.dma_semaphore, #tpu.memory_space<semaphore_mem>>)
      } else {
      }
      %dma_wait3A_188 = arith.constant 0 : i32
      %dma_wait3A_189 = tpu.memref_slice %arg5[%add3A_173, %dma_wait3A_188] : memref<50x128xi32, #tpu.memory_space<vmem>> -> memref<1x128xi32, #tpu.memory_space<vmem>>
      %dma_wait3A_190 = tpu.memref_squeeze %dma_wait3A_189 : memref<1x128xi32, #tpu.memory_space<vmem>> -> memref<128xi32, #tpu.memory_space<vmem>>
      %dma_wait3A_191 = arith.constant 0 : i32
      %dma_wait3A_192 = arith.constant 0 : i32
      %dma_wait3A_193 = tpu.memref_slice %arg3[%dma_wait3A_191, %dma_wait3A_192] : memref<100000x128xf32, #tpu.memory_space<hbm>> -> memref<100000x128xf32, #tpu.memory_space<hbm>>
      tpu.wait_indirect_dma semaphore(%arg16 : memref<!tpu.dma_semaphore, #tpu.memory_space<semaphore_mem>>) src(%dma_wait3A_193 : memref<100000x128xf32, #tpu.memory_space<hbm>>) dst(%arg9 : memref<128x128xf32, #tpu.memory_space<vmem>>)
      %dma_start3A_194 = arith.constant 0 : i32
      %dma_start3A_195 = tpu.memref_slice %arg4[%add3A_173, %mul3A_2, %dma_start3A_194] : memref<50x4096x128xf32, #tpu.memory_space<hbm>> -> memref<1x128x128xf32, #tpu.memory_space<hbm>>
      %dma_start3A_196 = tpu.memref_squeeze %dma_start3A_195 : memref<1x128x128xf32, #tpu.memory_space<hbm>> -> memref<128x128xf32, #tpu.memory_space<hbm>>
      %dma_start3A_197 = arith.constant 0 : i32
      %dma_start3A_198 = tpu.memref_slice %arg4[%add3A_173, %mul3A_2, %dma_start3A_197] : memref<50x4096x128xf32, #tpu.memory_space<hbm>> -> memref<1x128x128xf32, #tpu.memory_space<hbm>>
      %dma_start3A_199 = tpu.memref_squeeze %dma_start3A_198 : memref<1x128x128xf32, #tpu.memory_space<hbm>> -> memref<128x128xf32, #tpu.memory_space<hbm>>
      tpu.enqueue_dma source(%arg9 : memref<128x128xf32, #tpu.memory_space<vmem>>) target(%dma_start3A_199 : memref<128x128xf32, #tpu.memory_space<hbm>>) target_semaphore(%arg23 : memref<!tpu.dma_semaphore, #tpu.memory_space<semaphore_mem>>)
      %mul3A_200 = arith.constant 7 : i32
      %mul3A_201 = arith.muli %mul3A_200, %scan3A_84 : i32
      %add3A_202 = arith.constant 4 : i32
      %add3A_203 = arith.addi %mul3A_201, %add3A_202 : i32
      %ge3A_204 = arith.constant 1 : i32
      %ge3A_205 = arith.cmpi sge, %add3A_203, %ge3A_204 : i32
      %convert_element_type3A_206 = arith.extui %ge3A_205 : i1 to i32
      %cond3A_207 = arith.constant 0 : i32
      %cond3A_208 = arith.cmpi ne, %convert_element_type3A_206, %cond3A_207 : i32
      scf.if %cond3A_208 {
        %sub3A_290 = arith.constant 1 : i32
        %sub3A_291 = arith.subi %add3A_203, %sub3A_290 : i32
        %dma_wait3A_292 = arith.constant 0 : i32
        %dma_wait3A_293 = tpu.memref_slice %arg4[%sub3A_291, %mul3A_2, %dma_wait3A_292] : memref<50x4096x128xf32, #tpu.memory_space<hbm>> -> memref<1x128x128xf32, #tpu.memory_space<hbm>>
        %dma_wait3A_294 = tpu.memref_squeeze %dma_wait3A_293 : memref<1x128x128xf32, #tpu.memory_space<hbm>> -> memref<128x128xf32, #tpu.memory_space<hbm>>
        %dma_wait3A_295 = arith.constant 0 : i32
        %dma_wait3A_296 = tpu.memref_slice %arg4[%sub3A_291, %mul3A_2, %dma_wait3A_295] : memref<50x4096x128xf32, #tpu.memory_space<hbm>> -> memref<1x128x128xf32, #tpu.memory_space<hbm>>
        %dma_wait3A_297 = tpu.memref_squeeze %dma_wait3A_296 : memref<1x128x128xf32, #tpu.memory_space<hbm>> -> memref<128x128xf32, #tpu.memory_space<hbm>>
        tpu.wait_dma2 semaphore(%arg23 : memref<!tpu.dma_semaphore, #tpu.memory_space<semaphore_mem>>) src(%arg9 : memref<128x128xf32, #tpu.memory_space<vmem>>) dst(%dma_wait3A_297 : memref<128x128xf32, #tpu.memory_space<hbm>>)
      } else {
      }
      %add3A_209 = arith.constant 7 : i32
      %add3A_210 = arith.addi %add3A_203, %add3A_209 : i32
      %sub3A_211 = arith.constant 1 : i32
      %sub3A_212 = arith.subi %add3A_210, %sub3A_211 : i32
      %lt3A_213 = arith.constant 50 : i32
      %lt3A_214 = arith.cmpi slt, %sub3A_212, %lt3A_213 : i32
      %convert_element_type3A_215 = arith.extui %lt3A_214 : i1 to i32
      %cond3A_216 = arith.constant 0 : i32
      %cond3A_217 = arith.cmpi ne, %convert_element_type3A_215, %cond3A_216 : i32
      scf.if %cond3A_217 {
        %add3A_290 = arith.constant 7 : i32
        %add3A_291 = arith.addi %add3A_203, %add3A_290 : i32
        %sub3A_292 = arith.constant 1 : i32
        %sub3A_293 = arith.subi %add3A_291, %sub3A_292 : i32
        %dma_start3A_294 = arith.constant 0 : i32
        %dma_start3A_295 = tpu.memref_slice %arg5[%sub3A_293, %dma_start3A_294] : memref<50x128xi32, #tpu.memory_space<vmem>> -> memref<1x128xi32, #tpu.memory_space<vmem>>
        %dma_start3A_296 = tpu.memref_squeeze %dma_start3A_295 : memref<1x128xi32, #tpu.memory_space<vmem>> -> memref<128xi32, #tpu.memory_space<vmem>>
        %dma_start3A_297 = arith.constant 0 : i32
        %dma_start3A_298 = arith.constant 0 : i32
        %dma_start3A_299 = tpu.memref_slice %arg3[%dma_start3A_297, %dma_start3A_298] : memref<100000x128xf32, #tpu.memory_space<hbm>> -> memref<100000x128xf32, #tpu.memory_space<hbm>>
        tpu.enqueue_indirect_dma source(%dma_start3A_299 : memref<100000x128xf32, #tpu.memory_space<hbm>>) target(%arg9 : memref<128x128xf32, #tpu.memory_space<vmem>>) offsets(%dma_start3A_296 : memref<128xi32, #tpu.memory_space<vmem>>) semaphore(%arg16 : memref<!tpu.dma_semaphore, #tpu.memory_space<semaphore_mem>>)
      } else {
      }
      %dma_wait3A_218 = arith.constant 0 : i32
      %dma_wait3A_219 = tpu.memref_slice %arg5[%add3A_203, %dma_wait3A_218] : memref<50x128xi32, #tpu.memory_space<vmem>> -> memref<1x128xi32, #tpu.memory_space<vmem>>
      %dma_wait3A_220 = tpu.memref_squeeze %dma_wait3A_219 : memref<1x128xi32, #tpu.memory_space<vmem>> -> memref<128xi32, #tpu.memory_space<vmem>>
      %dma_wait3A_221 = arith.constant 0 : i32
      %dma_wait3A_222 = arith.constant 0 : i32
      %dma_wait3A_223 = tpu.memref_slice %arg3[%dma_wait3A_221, %dma_wait3A_222] : memref<100000x128xf32, #tpu.memory_space<hbm>> -> memref<100000x128xf32, #tpu.memory_space<hbm>>
      tpu.wait_indirect_dma semaphore(%arg17 : memref<!tpu.dma_semaphore, #tpu.memory_space<semaphore_mem>>) src(%dma_wait3A_223 : memref<100000x128xf32, #tpu.memory_space<hbm>>) dst(%arg10 : memref<128x128xf32, #tpu.memory_space<vmem>>)
      %dma_start3A_224 = arith.constant 0 : i32
      %dma_start3A_225 = tpu.memref_slice %arg4[%add3A_203, %mul3A_2, %dma_start3A_224] : memref<50x4096x128xf32, #tpu.memory_space<hbm>> -> memref<1x128x128xf32, #tpu.memory_space<hbm>>
      %dma_start3A_226 = tpu.memref_squeeze %dma_start3A_225 : memref<1x128x128xf32, #tpu.memory_space<hbm>> -> memref<128x128xf32, #tpu.memory_space<hbm>>
      %dma_start3A_227 = arith.constant 0 : i32
      %dma_start3A_228 = tpu.memref_slice %arg4[%add3A_203, %mul3A_2, %dma_start3A_227] : memref<50x4096x128xf32, #tpu.memory_space<hbm>> -> memref<1x128x128xf32, #tpu.memory_space<hbm>>
      %dma_start3A_229 = tpu.memref_squeeze %dma_start3A_228 : memref<1x128x128xf32, #tpu.memory_space<hbm>> -> memref<128x128xf32, #tpu.memory_space<hbm>>
      tpu.enqueue_dma source(%arg10 : memref<128x128xf32, #tpu.memory_space<vmem>>) target(%dma_start3A_229 : memref<128x128xf32, #tpu.memory_space<hbm>>) target_semaphore(%arg24 : memref<!tpu.dma_semaphore, #tpu.memory_space<semaphore_mem>>)
      %mul3A_230 = arith.constant 7 : i32
      %mul3A_231 = arith.muli %mul3A_230, %scan3A_84 : i32
      %add3A_232 = arith.constant 5 : i32
      %add3A_233 = arith.addi %mul3A_231, %add3A_232 : i32
      %ge3A_234 = arith.constant 1 : i32
      %ge3A_235 = arith.cmpi sge, %add3A_233, %ge3A_234 : i32
      %convert_element_type3A_236 = arith.extui %ge3A_235 : i1 to i32
      %cond3A_237 = arith.constant 0 : i32
      %cond3A_238 = arith.cmpi ne, %convert_element_type3A_236, %cond3A_237 : i32
      scf.if %cond3A_238 {
        %sub3A_290 = arith.constant 1 : i32
        %sub3A_291 = arith.subi %add3A_233, %sub3A_290 : i32
        %dma_wait3A_292 = arith.constant 0 : i32
        %dma_wait3A_293 = tpu.memref_slice %arg4[%sub3A_291, %mul3A_2, %dma_wait3A_292] : memref<50x4096x128xf32, #tpu.memory_space<hbm>> -> memref<1x128x128xf32, #tpu.memory_space<hbm>>
        %dma_wait3A_294 = tpu.memref_squeeze %dma_wait3A_293 : memref<1x128x128xf32, #tpu.memory_space<hbm>> -> memref<128x128xf32, #tpu.memory_space<hbm>>
        %dma_wait3A_295 = arith.constant 0 : i32
        %dma_wait3A_296 = tpu.memref_slice %arg4[%sub3A_291, %mul3A_2, %dma_wait3A_295] : memref<50x4096x128xf32, #tpu.memory_space<hbm>> -> memref<1x128x128xf32, #tpu.memory_space<hbm>>
        %dma_wait3A_297 = tpu.memref_squeeze %dma_wait3A_296 : memref<1x128x128xf32, #tpu.memory_space<hbm>> -> memref<128x128xf32, #tpu.memory_space<hbm>>
        tpu.wait_dma2 semaphore(%arg24 : memref<!tpu.dma_semaphore, #tpu.memory_space<semaphore_mem>>) src(%arg10 : memref<128x128xf32, #tpu.memory_space<vmem>>) dst(%dma_wait3A_297 : memref<128x128xf32, #tpu.memory_space<hbm>>)
      } else {
      }
      %add3A_239 = arith.constant 7 : i32
      %add3A_240 = arith.addi %add3A_233, %add3A_239 : i32
      %sub3A_241 = arith.constant 1 : i32
      %sub3A_242 = arith.subi %add3A_240, %sub3A_241 : i32
      %lt3A_243 = arith.constant 50 : i32
      %lt3A_244 = arith.cmpi slt, %sub3A_242, %lt3A_243 : i32
      %convert_element_type3A_245 = arith.extui %lt3A_244 : i1 to i32
      %cond3A_246 = arith.constant 0 : i32
      %cond3A_247 = arith.cmpi ne, %convert_element_type3A_245, %cond3A_246 : i32
      scf.if %cond3A_247 {
        %add3A_290 = arith.constant 7 : i32
        %add3A_291 = arith.addi %add3A_233, %add3A_290 : i32
        %sub3A_292 = arith.constant 1 : i32
        %sub3A_293 = arith.subi %add3A_291, %sub3A_292 : i32
        %dma_start3A_294 = arith.constant 0 : i32
        %dma_start3A_295 = tpu.memref_slice %arg5[%sub3A_293, %dma_start3A_294] : memref<50x128xi32, #tpu.memory_space<vmem>> -> memref<1x128xi32, #tpu.memory_space<vmem>>
        %dma_start3A_296 = tpu.memref_squeeze %dma_start3A_295 : memref<1x128xi32, #tpu.memory_space<vmem>> -> memref<128xi32, #tpu.memory_space<vmem>>
        %dma_start3A_297 = arith.constant 0 : i32
        %dma_start3A_298 = arith.constant 0 : i32
        %dma_start3A_299 = tpu.memref_slice %arg3[%dma_start3A_297, %dma_start3A_298] : memref<100000x128xf32, #tpu.memory_space<hbm>> -> memref<100000x128xf32, #tpu.memory_space<hbm>>
        tpu.enqueue_indirect_dma source(%dma_start3A_299 : memref<100000x128xf32, #tpu.memory_space<hbm>>) target(%arg10 : memref<128x128xf32, #tpu.memory_space<vmem>>) offsets(%dma_start3A_296 : memref<128xi32, #tpu.memory_space<vmem>>) semaphore(%arg17 : memref<!tpu.dma_semaphore, #tpu.memory_space<semaphore_mem>>)
      } else {
      }
      %dma_wait3A_248 = arith.constant 0 : i32
      %dma_wait3A_249 = tpu.memref_slice %arg5[%add3A_233, %dma_wait3A_248] : memref<50x128xi32, #tpu.memory_space<vmem>> -> memref<1x128xi32, #tpu.memory_space<vmem>>
      %dma_wait3A_250 = tpu.memref_squeeze %dma_wait3A_249 : memref<1x128xi32, #tpu.memory_space<vmem>> -> memref<128xi32, #tpu.memory_space<vmem>>
      %dma_wait3A_251 = arith.constant 0 : i32
      %dma_wait3A_252 = arith.constant 0 : i32
      %dma_wait3A_253 = tpu.memref_slice %arg3[%dma_wait3A_251, %dma_wait3A_252] : memref<100000x128xf32, #tpu.memory_space<hbm>> -> memref<100000x128xf32, #tpu.memory_space<hbm>>
      tpu.wait_indirect_dma semaphore(%arg18 : memref<!tpu.dma_semaphore, #tpu.memory_space<semaphore_mem>>) src(%dma_wait3A_253 : memref<100000x128xf32, #tpu.memory_space<hbm>>) dst(%arg11 : memref<128x128xf32, #tpu.memory_space<vmem>>)
      %dma_start3A_254 = arith.constant 0 : i32
      %dma_start3A_255 = tpu.memref_slice %arg4[%add3A_233, %mul3A_2, %dma_start3A_254] : memref<50x4096x128xf32, #tpu.memory_space<hbm>> -> memref<1x128x128xf32, #tpu.memory_space<hbm>>
      %dma_start3A_256 = tpu.memref_squeeze %dma_start3A_255 : memref<1x128x128xf32, #tpu.memory_space<hbm>> -> memref<128x128xf32, #tpu.memory_space<hbm>>
      %dma_start3A_257 = arith.constant 0 : i32
      %dma_start3A_258 = tpu.memref_slice %arg4[%add3A_233, %mul3A_2, %dma_start3A_257] : memref<50x4096x128xf32, #tpu.memory_space<hbm>> -> memref<1x128x128xf32, #tpu.memory_space<hbm>>
      %dma_start3A_259 = tpu.memref_squeeze %dma_start3A_258 : memref<1x128x128xf32, #tpu.memory_space<hbm>> -> memref<128x128xf32, #tpu.memory_space<hbm>>
      tpu.enqueue_dma source(%arg11 : memref<128x128xf32, #tpu.memory_space<vmem>>) target(%dma_start3A_259 : memref<128x128xf32, #tpu.memory_space<hbm>>) target_semaphore(%arg25 : memref<!tpu.dma_semaphore, #tpu.memory_space<semaphore_mem>>)
      %mul3A_260 = arith.constant 7 : i32
      %mul3A_261 = arith.muli %mul3A_260, %scan3A_84 : i32
      %add3A_262 = arith.constant 6 : i32
      %add3A_263 = arith.addi %mul3A_261, %add3A_262 : i32
      %ge3A_264 = arith.constant 1 : i32
      %ge3A_265 = arith.cmpi sge, %add3A_263, %ge3A_264 : i32
      %convert_element_type3A_266 = arith.extui %ge3A_265 : i1 to i32
      %cond3A_267 = arith.constant 0 : i32
      %cond3A_268 = arith.cmpi ne, %convert_element_type3A_266, %cond3A_267 : i32
      scf.if %cond3A_268 {
        %sub3A_290 = arith.constant 1 : i32
        %sub3A_291 = arith.subi %add3A_263, %sub3A_290 : i32
        %dma_wait3A_292 = arith.constant 0 : i32
        %dma_wait3A_293 = tpu.memref_slice %arg4[%sub3A_291, %mul3A_2, %dma_wait3A_292] : memref<50x4096x128xf32, #tpu.memory_space<hbm>> -> memref<1x128x128xf32, #tpu.memory_space<hbm>>
        %dma_wait3A_294 = tpu.memref_squeeze %dma_wait3A_293 : memref<1x128x128xf32, #tpu.memory_space<hbm>> -> memref<128x128xf32, #tpu.memory_space<hbm>>
        %dma_wait3A_295 = arith.constant 0 : i32
        %dma_wait3A_296 = tpu.memref_slice %arg4[%sub3A_291, %mul3A_2, %dma_wait3A_295] : memref<50x4096x128xf32, #tpu.memory_space<hbm>> -> memref<1x128x128xf32, #tpu.memory_space<hbm>>
        %dma_wait3A_297 = tpu.memref_squeeze %dma_wait3A_296 : memref<1x128x128xf32, #tpu.memory_space<hbm>> -> memref<128x128xf32, #tpu.memory_space<hbm>>
        tpu.wait_dma2 semaphore(%arg25 : memref<!tpu.dma_semaphore, #tpu.memory_space<semaphore_mem>>) src(%arg11 : memref<128x128xf32, #tpu.memory_space<vmem>>) dst(%dma_wait3A_297 : memref<128x128xf32, #tpu.memory_space<hbm>>)
      } else {
      }
      %add3A_269 = arith.constant 7 : i32
      %add3A_270 = arith.addi %add3A_263, %add3A_269 : i32
      %sub3A_271 = arith.constant 1 : i32
      %sub3A_272 = arith.subi %add3A_270, %sub3A_271 : i32
      %lt3A_273 = arith.constant 50 : i32
      %lt3A_274 = arith.cmpi slt, %sub3A_272, %lt3A_273 : i32
      %convert_element_type3A_275 = arith.extui %lt3A_274 : i1 to i32
      %cond3A_276 = arith.constant 0 : i32
      %cond3A_277 = arith.cmpi ne, %convert_element_type3A_275, %cond3A_276 : i32
      scf.if %cond3A_277 {
        %add3A_290 = arith.constant 7 : i32
        %add3A_291 = arith.addi %add3A_263, %add3A_290 : i32
        %sub3A_292 = arith.constant 1 : i32
        %sub3A_293 = arith.subi %add3A_291, %sub3A_292 : i32
        %dma_start3A_294 = arith.constant 0 : i32
        %dma_start3A_295 = tpu.memref_slice %arg5[%sub3A_293, %dma_start3A_294] : memref<50x128xi32, #tpu.memory_space<vmem>> -> memref<1x128xi32, #tpu.memory_space<vmem>>
        %dma_start3A_296 = tpu.memref_squeeze %dma_start3A_295 : memref<1x128xi32, #tpu.memory_space<vmem>> -> memref<128xi32, #tpu.memory_space<vmem>>
        %dma_start3A_297 = arith.constant 0 : i32
        %dma_start3A_298 = arith.constant 0 : i32
        %dma_start3A_299 = tpu.memref_slice %arg3[%dma_start3A_297, %dma_start3A_298] : memref<100000x128xf32, #tpu.memory_space<hbm>> -> memref<100000x128xf32, #tpu.memory_space<hbm>>
        tpu.enqueue_indirect_dma source(%dma_start3A_299 : memref<100000x128xf32, #tpu.memory_space<hbm>>) target(%arg11 : memref<128x128xf32, #tpu.memory_space<vmem>>) offsets(%dma_start3A_296 : memref<128xi32, #tpu.memory_space<vmem>>) semaphore(%arg18 : memref<!tpu.dma_semaphore, #tpu.memory_space<semaphore_mem>>)
      } else {
      }
      %dma_wait3A_278 = arith.constant 0 : i32
      %dma_wait3A_279 = tpu.memref_slice %arg5[%add3A_263, %dma_wait3A_278] : memref<50x128xi32, #tpu.memory_space<vmem>> -> memref<1x128xi32, #tpu.memory_space<vmem>>
      %dma_wait3A_280 = tpu.memref_squeeze %dma_wait3A_279 : memref<1x128xi32, #tpu.memory_space<vmem>> -> memref<128xi32, #tpu.memory_space<vmem>>
      %dma_wait3A_281 = arith.constant 0 : i32
      %dma_wait3A_282 = arith.constant 0 : i32
      %dma_wait3A_283 = tpu.memref_slice %arg3[%dma_wait3A_281, %dma_wait3A_282] : memref<100000x128xf32, #tpu.memory_space<hbm>> -> memref<100000x128xf32, #tpu.memory_space<hbm>>
      tpu.wait_indirect_dma semaphore(%arg19 : memref<!tpu.dma_semaphore, #tpu.memory_space<semaphore_mem>>) src(%dma_wait3A_283 : memref<100000x128xf32, #tpu.memory_space<hbm>>) dst(%arg12 : memref<128x128xf32, #tpu.memory_space<vmem>>)
      %dma_start3A_284 = arith.constant 0 : i32
      %dma_start3A_285 = tpu.memref_slice %arg4[%add3A_263, %mul3A_2, %dma_start3A_284] : memref<50x4096x128xf32, #tpu.memory_space<hbm>> -> memref<1x128x128xf32, #tpu.memory_space<hbm>>
      %dma_start3A_286 = tpu.memref_squeeze %dma_start3A_285 : memref<1x128x128xf32, #tpu.memory_space<hbm>> -> memref<128x128xf32, #tpu.memory_space<hbm>>
      %dma_start3A_287 = arith.constant 0 : i32
      %dma_start3A_288 = tpu.memref_slice %arg4[%add3A_263, %mul3A_2, %dma_start3A_287] : memref<50x4096x128xf32, #tpu.memory_space<hbm>> -> memref<1x128x128xf32, #tpu.memory_space<hbm>>
      %dma_start3A_289 = tpu.memref_squeeze %dma_start3A_288 : memref<1x128x128xf32, #tpu.memory_space<hbm>> -> memref<128x128xf32, #tpu.memory_space<hbm>>
      tpu.enqueue_dma source(%arg12 : memref<128x128xf32, #tpu.memory_space<vmem>>) target(%dma_start3A_289 : memref<128x128xf32, #tpu.memory_space<hbm>>) target_semaphore(%arg26 : memref<!tpu.dma_semaphore, #tpu.memory_space<semaphore_mem>>)
    }
    %scan3A_55 = arith.constant 7 : i32
    %dma_wait3A_56 = arith.constant 48 : i32
    %dma_wait3A_57 = arith.constant 0 : i32
    %dma_wait3A_58 = tpu.memref_slice %arg4[%dma_wait3A_56, %mul3A_2, %dma_wait3A_57] : memref<50x4096x128xf32, #tpu.memory_space<hbm>> -> memref<1x128x128xf32, #tpu.memory_space<hbm>>
    %dma_wait3A_59 = tpu.memref_squeeze %dma_wait3A_58 : memref<1x128x128xf32, #tpu.memory_space<hbm>> -> memref<128x128xf32, #tpu.memory_space<hbm>>
    %dma_wait3A_60 = arith.constant 0 : i32
    %dma_wait3A_61 = tpu.memref_slice %arg4[%dma_wait3A_56, %mul3A_2, %dma_wait3A_60] : memref<50x4096x128xf32, #tpu.memory_space<hbm>> -> memref<1x128x128xf32, #tpu.memory_space<hbm>>
    %dma_wait3A_62 = tpu.memref_squeeze %dma_wait3A_61 : memref<1x128x128xf32, #tpu.memory_space<hbm>> -> memref<128x128xf32, #tpu.memory_space<hbm>>
    tpu.wait_dma2 semaphore(%arg26 : memref<!tpu.dma_semaphore, #tpu.memory_space<semaphore_mem>>) src(%arg12 : memref<128x128xf32, #tpu.memory_space<vmem>>) dst(%dma_wait3A_62 : memref<128x128xf32, #tpu.memory_space<hbm>>)
    %dma_wait3A_63 = arith.constant 49 : i32
    %dma_wait3A_64 = arith.constant 0 : i32
    %dma_wait3A_65 = tpu.memref_slice %arg5[%dma_wait3A_63, %dma_wait3A_64] : memref<50x128xi32, #tpu.memory_space<vmem>> -> memref<1x128xi32, #tpu.memory_space<vmem>>
    %dma_wait3A_66 = tpu.memref_squeeze %dma_wait3A_65 : memref<1x128xi32, #tpu.memory_space<vmem>> -> memref<128xi32, #tpu.memory_space<vmem>>
    %dma_wait3A_67 = arith.constant 0 : i32
    %dma_wait3A_68 = arith.constant 0 : i32
    %dma_wait3A_69 = tpu.memref_slice %arg3[%dma_wait3A_67, %dma_wait3A_68] : memref<100000x128xf32, #tpu.memory_space<hbm>> -> memref<100000x128xf32, #tpu.memory_space<hbm>>
    tpu.wait_indirect_dma semaphore(%arg13 : memref<!tpu.dma_semaphore, #tpu.memory_space<semaphore_mem>>) src(%dma_wait3A_69 : memref<100000x128xf32, #tpu.memory_space<hbm>>) dst(%arg6 : memref<128x128xf32, #tpu.memory_space<vmem>>)
    %dma_start3A_70 = arith.constant 49 : i32
    %dma_start3A_71 = arith.constant 0 : i32
    %dma_start3A_72 = tpu.memref_slice %arg4[%dma_start3A_70, %mul3A_2, %dma_start3A_71] : memref<50x4096x128xf32, #tpu.memory_space<hbm>> -> memref<1x128x128xf32, #tpu.memory_space<hbm>>
    %dma_start3A_73 = tpu.memref_squeeze %dma_start3A_72 : memref<1x128x128xf32, #tpu.memory_space<hbm>> -> memref<128x128xf32, #tpu.memory_space<hbm>>
    %dma_start3A_74 = arith.constant 0 : i32
    %dma_start3A_75 = tpu.memref_slice %arg4[%dma_start3A_70, %mul3A_2, %dma_start3A_74] : memref<50x4096x128xf32, #tpu.memory_space<hbm>> -> memref<1x128x128xf32, #tpu.memory_space<hbm>>
    %dma_start3A_76 = tpu.memref_squeeze %dma_start3A_75 : memref<1x128x128xf32, #tpu.memory_space<hbm>> -> memref<128x128xf32, #tpu.memory_space<hbm>>
    tpu.enqueue_dma source(%arg6 : memref<128x128xf32, #tpu.memory_space<vmem>>) target(%dma_start3A_76 : memref<128x128xf32, #tpu.memory_space<hbm>>) target_semaphore(%arg20 : memref<!tpu.dma_semaphore, #tpu.memory_space<semaphore_mem>>)
    %dma_wait3A_77 = arith.constant 49 : i32
    %dma_wait3A_78 = arith.constant 0 : i32
    %dma_wait3A_79 = tpu.memref_slice %arg4[%dma_wait3A_77, %mul3A_2, %dma_wait3A_78] : memref<50x4096x128xf32, #tpu.memory_space<hbm>> -> memref<1x128x128xf32, #tpu.memory_space<hbm>>
    %dma_wait3A_80 = tpu.memref_squeeze %dma_wait3A_79 : memref<1x128x128xf32, #tpu.memory_space<hbm>> -> memref<128x128xf32, #tpu.memory_space<hbm>>
    %dma_wait3A_81 = arith.constant 0 : i32
    %dma_wait3A_82 = tpu.memref_slice %arg4[%dma_wait3A_77, %mul3A_2, %dma_wait3A_81] : memref<50x4096x128xf32, #tpu.memory_space<hbm>> -> memref<1x128x128xf32, #tpu.memory_space<hbm>>
    %dma_wait3A_83 = tpu.memref_squeeze %dma_wait3A_82 : memref<1x128x128xf32, #tpu.memory_space<hbm>> -> memref<128x128xf32, #tpu.memory_space<hbm>>
    tpu.wait_dma2 semaphore(%arg20 : memref<!tpu.dma_semaphore, #tpu.memory_space<semaphore_mem>>) src(%arg6 : memref<128x128xf32, #tpu.memory_space<vmem>>) dst(%dma_wait3A_83 : memref<128x128xf32, #tpu.memory_space<hbm>>)
    return
  }
}

</mosaic_0001>

<sc_bundles>
// kernel: kernel.3.cloned.1.call-start
scs
__scs_entry_jumppad:
0x0: {  	(pc) =	sbr.rel $0x88, $3  }
0x1: {  	(tag) =	ssettag $0x0;
	lr =	simm.s32 $0x1  }
0x2: {  	[smem:$0x3F9F] =	sst lr;
	_ =	strace $0xD0000000  }
0x3: {  	_ = 	snop  }
0x4: {  	_ = 	snop  }
0x5: {  	_ = 	snop  }
0x6: {  	_ = 	snop  }
0x7: {  	_ = 	snop  }
__scs_overlays_trampoline_lowered:
0x8: {  	[smem:$0x3FAE] =	sst s0  }
0x9: {  	[smem:$0x3FAF] =	sst s1  }
0xa: {  	[smem:$0x3FB0] =	sst s2  }
0xb: {  	[smem:$0x3FB1] =	sst s3  }
0xc: {  	[smem:$0x3FB2] =	sst s4  }
0xd: {  	[smem:$0x3FB3] =	sst s5  }
0xe: {  	[smem:$0x3FB4] =	sst s6  }
0xf: {  	[smem:$0x3FB5] =	sst s7  }
0x10: {  	[smem:$0x3FB6] =	sst s8  }
0x11: {  	[smem:$0x3FB7] =	sst s9;
	s0 =	simm.s32 @!p0 $0x0  }
0x12: {  	s1 =	sld [smem:$0x3F9D];
	s0 =	simm.s32 @p0 $0x1  }
0x13: {  	[smem:$0x3FB8] =	sst s0;
	s0 =	simm.s32 @!p1 $0x0  }
0x14: {  	s2 =	sld [smem:$0x3F9C];
	s0 =	simm.s32 @p1 $0x1  }
0x15: {  	[smem:$0x3FB9] =	sst s0;
	s0 =	simm.s32 @!p2 $0x0  }
0x16: {  	s3 =	sld [smem:$0x3FDB];
	s0 =	simm.s32 @p2 $0x1  }
0x17: {  	s4 =	simm.s32 $0x1BF5;
	[smem:$0x3FBB] =	sst s0  }
0x18: {  	s0 =	sld [smem:$0x3F9E];
	_ =	swait.ge [sflag:s4], $0x0  }
0x19: {  	s7 =	sld [smem:$0x3F9F]  }
0x1a: {  	s8 =	sadd.s32 $0xFFFFE003, lr  }
0x1b: {  	s9 =	sadd.s32 $0xFFFFFEF7, lr;
	s5 =	simm.s32 $0xFFFFFFFF;
	p2 =	slt.u32 s8, $0xFFFFF086  }
0x1c: {  	p1 =	slt.u32 s9, $0xF7A;
	s5 =	simm.s32 @!p2 $0x0  }
0x1d: {  	s5 =	simm.s32 @p1 $0x1;
	p0 =	seq.s32 s7, s2  }
0x1e: {  	s7 =	smul.u32 @!p0 $0xF7A, s2;
	p2 =	seq.s32 @!p0 s5, $0x0  }
0x1f: {  	s9 =	smul.u32 $0xF7A, s1;
	s8 =	simm.s32 @!p0 $0x1BF5;
	p2 =	por !p2, p0  }
0x20: {  	[sflag:s8] =	ssyncset.s32 @!p0 $0xFFFFF086;
	s6 =	sadd.s32 @!p0 s3, s7;
	s7 =	simm.s32 @!p0 $0x108  }
0x21: {  	s3 =	sadd.s32 s3, s9;
	s6 =	sadd.s32 @!p0 $0x88, s6;
	s7 =	simm.s32 @p2 $0x1082  }
0x22: {  	[simem:s7], [sflag:s8] =	dma.local @!p0 [hbm:s6], $0xF7A  }
0x23: {  	s9 =	sor.u32 $0xD0000000, s2;
	s6 =	simm.s32 $0x108;
	_ =	swait.ge @!p0 [sflag:s8], $0x0  }
0x24: {  	s3 =	sadd.s32 $0x88, s3;
	s6 =	simm.s32 @!p1 $0x1082;
	[sflag:s4] =	ssyncset.s32 $0xFFFFF086  }
0x25: {  	[simem:s6], [sflag:s4] =	dma.local [hbm:s3], $0xF7A  }
0x26: {  	[smem:$0x3F9F] =	sst s1;
	(tag) =	ssettag s2;
	_ =	strace s9  }
0x27: {  	s1 =	sld [smem:$0x3FAF]  }
0x28: {  	s2 =	sld [smem:$0x3FB0]  }
0x29: {  	s4 =	sld [smem:$0x3FB2]  }
0x2a: {  	p0 =	seq.s32 s5, $0x0;
	s5 =	sld [smem:$0x3FB3]  }
0x2b: {  	s6 =	sld [smem:$0x3FB4]  }
0x2c: {  	s7 =	sld [smem:$0x3FB5]  }
0x2d: {  	s3 =	simm.s32 $0x108;
	s8 =	sld [smem:$0x3FB6]  }
0x2e: {  	s3 =	simm.s32 @!p0 $0x1082;
	s9 =	sld [smem:$0x3FB7]  }
0x2f: {  	lr =	sadd.s32 s0, s3;
	s0 =	sld [smem:$0x3FAE]  }
0x30: {  	s3 =	sld [smem:$0x3FB1]  }
0x31: {  	[smem:$0x3FBA] =	sst s10  }
0x32: {  	s10 =	sld [smem:$0x3FB8];
	_ =	sdelay $0x3  }
0x33: {  	p0 =	seq.s32 s10, $0x1;
	s10 =	sld [smem:$0x3FBA];
	_ =	sdelay $0x3  }
0x34: {  	[smem:$0x3FBA] =	sst s10  }
0x35: {  	s10 =	sld [smem:$0x3FB9];
	_ =	sdelay $0x3  }
0x36: {  	p1 =	seq.s32 s10, $0x1;
	s10 =	sld [smem:$0x3FBA];
	_ =	sdelay $0x3  }
0x37: {  	[smem:$0x3FBA] =	sst s10  }
0x38: {  	s10 =	sld [smem:$0x3FBB]  }
0x39: {  	_ = 	snop;
	(pc) =	sbr.ind lr, $3  }
0x3a: {  	_ = 	snop  }
0x3b: {  	_ = 	snop  }
0x3c: {  	p2 =	seq.s32 s10, $0x1;
	s10 =	sld [smem:$0x3FBA]  }
0x3d: {  	_ =	shalt  }
0x3e: {  	_ =	shalt  }
0x3f: {  	_ =	shalt  }
0x40: {  	_ =	shalt  }
0x41: {  	_ =	shalt  }
0x42: {  	_ =	shalt  }
0x43: {  	_ =	shalt  }
0x44: {  	_ =	shalt  }
0x45: {  	_ =	shalt  }
0x46: {  	_ =	shalt  }
0x47: {  	_ =	shalt  }
0x48: {  	_ =	shalt  }
0x49: {  	_ =	shalt  }
0x4a: {  	_ =	shalt  }
0x4b: {  	_ =	shalt  }
0x4c: {  	_ =	shalt  }
0x4d: {  	_ =	shalt  }
0x4e: {  	_ =	shalt  }
0x4f: {  	_ =	shalt  }
0x50: {  	_ =	shalt  }
0x51: {  	_ =	shalt  }
0x52: {  	_ =	shalt  }
0x53: {  	_ =	shalt  }
0x54: {  	_ =	shalt  }
0x55: {  	_ =	shalt  }
0x56: {  	_ =	shalt  }
0x57: {  	_ =	shalt  }
0x58: {  	_ =	shalt  }
0x59: {  	_ =	shalt  }
0x5a: {  	_ =	shalt  }
0x5b: {  	_ =	shalt  }
0x5c: {  	_ =	shalt  }
0x5d: {  	_ =	shalt  }
0x5e: {  	_ =	shalt  }
0x5f: {  	_ =	shalt  }
0x60: {  	_ =	shalt  }
0x61: {  	_ =	shalt  }
0x62: {  	_ =	shalt  }
0x63: {  	_ =	shalt  }
0x64: {  	_ =	shalt  }
0x65: {  	_ =	shalt  }
0x66: {  	_ =	shalt  }
0x67: {  	_ =	shalt  }
0x68: {  	_ =	shalt  }
0x69: {  	_ =	shalt  }
0x6a: {  	_ =	shalt  }
0x6b: {  	_ =	shalt  }
0x6c: {  	_ =	shalt  }
0x6d: {  	_ =	shalt  }
0x6e: {  	_ =	shalt  }
0x6f: {  	_ =	shalt  }
0x70: {  	_ =	shalt  }
0x71: {  	_ =	shalt  }
0x72: {  	_ =	shalt  }
0x73: {  	_ =	shalt  }
0x74: {  	_ =	shalt  }
0x75: {  	_ =	shalt  }
0x76: {  	_ =	shalt  }
0x77: {  	_ =	shalt  }
0x78: {  	_ =	shalt  }
0x79: {  	_ =	shalt  }
0x7a: {  	_ =	shalt  }
0x7b: {  	_ =	shalt  }
0x7c: {  	_ =	shalt  }
0x7d: {  	_ =	shalt  }
0x7e: {  	_ =	shalt  }
0x7f: {  	_ =	shalt  }
0x80: {  	_ =	shalt  }
0x81: {  	_ =	shalt  }
0x82: {  	_ =	shalt  }
0x83: {  	_ =	shalt  }
0x84: {  	_ =	shalt  }
0x85: {  	_ =	shalt  }
0x86: {  	_ =	shalt  }
0x87: {  	_ =	shalt  }
.Lfunc_end0:
.L_simem_size_0:
called_computation_lowered:
.L_overlay_start_0:
0x88: {  	s2 =	sld [smem:$0x3FD9]  }
0x89: {  	s3 =	sld [smem:$0x3FFE];
	_ =	sdelay $0x1  }
0x8a: {  	s1 =	srdreg.scid  }
0x8b: {  	s0 =	sand.u32 $0x1, s1  }
0x8c: {  	s18 =	sshll.u32 s0, $0xA;
	s2 =	sadd.s32 s3, s2  }
0x8d: {  	s2 =	sadd.s32 s2, s18  }
0x8e: {  	[smem:$0x3FC6] =	sst s2  }
0x8f: {  	_ = 	snop  }
0x90: {  	s2 =	sld [smem:$0x3FC9]  }
0x91: {  	s19 =	sld [smem:$0x3FC8]  }
0x92: {  	s4 =	sld [smem:$0x3FD0];
	(tm) =	ssettm $0x1  }
0x93: {  	s5 =	sld [smem:$0x3FFB];
	_ =	sdelay $0x3  }
0x94: {  	_ =	strace s5  }
0x95: {  	s5 =	sld [smem:$0x3FFC];
	_ =	sdelay $0x3  }
0x96: {  	_ =	strace s5  }
0x97: {  	s5 =	sld [smem:$0x3FFD];
	_ =	sdelay $0x3  }
0x98: {  	_ =	strace s5  }
0x99: {  	_ =	strace $0x8FFFFFFF  }
0x9a: {  	s20 =	sld [smem:$0x3FDB];
	_ =	sdelay $0x1  }
0x9b: {  	s6 =	simm.s32 $_scs_section_size  }
0x9c: {  	s7 =	simm.s32 $_size__tile_overlayer_lowered;
	s8 =	simm.s32 $_tile_overlayer_lowered  }
0x9d: {  	s23 =	simm.s32 $0x1BFF;
	s22 =	sshll.u32 s8, $0x1;
	s5 =	sadd.s32 s6, s20  }
0x9e: {  	s9 =	simm.s32 $0x0;
	s21 =	sshll.u32 s7, $0x1;
	s7 =	sadd.s32 s22, s5  }
0x9f: {  	[timem:s9], [sflag:s23] =	dma.local [hbm:s7], s21  }
0xa0: {  	_ =	swait.ge [sflag:s23], s21  }
0xa1: {  	s6 =	ssub.s32 $0x0, s21;
	[sflag:s23] =	ssyncset.done $0x0  }
0xa2: {  	[sflag:s23] =	ssyncadd.s32 s6;
	_ =	sdelay $0x1  }
0xa3: {  	s24 =	simm.s32 $0x1B8B  }
0xa4: {  	_ =	swait.ge [sflag:s24], $0x1  }
0xa5: {  	[sflag:s24] =	ssyncset.done $0x0  }
0xa6: {  	s25 =	simm.s32 $0x1B8E;
	[sflag:s24] =	ssyncadd.s32 $0xFFFFFFFF  }
0xa7: {  	s26 =	simm.s32 $execute0_lowered;
	[smem:$0x3FD2] =	sst s25  }
0xa8: {  	s6 =	sshll.u32 s26, $0x1;
	_ =	strace $0x80000046;
	[dreg:$0x1] =	wrdreg $0xFFFFFFFF  }
0xa9: {  	s28 =	simm.s32 $_size_execute0_lowered;
	s5 =	sadd.s32 s5, s6;
	[dreg:$0x0] =	wrdreg $0x0  }
0xaa: {  	s6 =	sshll.u32 s28, $0x1;
	[dreg:$0x2] =	wrdreg s5  }
0xab: {  	[dreg:$0x3] =	wrdreg s6  }
0xac: {  	[dreg:$0x4] =	wrdreg $0xC0  }
0xad: {  	_ =	task [dreg:s9], $0x5FFFF  }
0xae: {  	[dreg:$0x1] =	wrdreg $0xFFFFFFFF  }
0xaf: {  	[dreg:$0x0] =	wrdreg $0x60  }
0xb0: {  	[dreg:$0x2] =	wrdreg s2  }
0xb1: {  	[dreg:$0x3] =	wrdreg s19  }
0xb2: {  	[dreg:$0x4] =	wrdreg s4  }
0xb3: {  	[dreg:$0x5] =	wrdreg $0x9  }
0xb4: {  	_ =	task.clear_ibuf [dreg:s9], $0x6FFFF;
	_ =	strace $0x90000046  }
0xb5: {  	s29 =	simm.s32 $0x9;
	_ =	strace $0x80000048  }
0xb6: {  	_ =	swait.ge [sflag:s29], $0x1  }
0xb7: {  	[sflag:s29] =	ssyncadd.s32 $0xFFFFFFFF  }
0xb8: {  	_ =	strace $0x90000048  }
0xb9: {  	_ =	sfence  }
0xba: {  	s30 =	sld [smem:$0x0];
	_ =	sdelay $0x2  }
0xbb: {  	s31 =	sshll.u32 s1, $0xD;
	s1 =	sshrl.u32 s1, $0x2  }
0xbc: {  	s3 =	sand.u32 $0x4000, s31;
	s1 =	sadd.s32 s1, s30  }
0xbd: {  	s0 =	sor.u32 s3, s0;
	s1 =	sshll.u32 s1, $0x11  }
0xbe: {  	s0 =	sor.u32 s1, s0  }
0xbf: {  	s0 =	sadd.s32 $0x8F2B, s0  }
0xc0: {  	[sflag:s0] =	ssyncadd.remote.s32 $0x1  }
0xc1: {  	_ =	sfence.sel $0xFFFF  }
0xc2: {  	[dreg:$0x0] =	wrdreg $0xFFFFFFFF;
	(pc) =	sbr.abs _section_cstart, $3  }
0xc3: {  	[dreg:$0x1] =	wrdreg $0xFFFFFFFF  }
0xc4: {  	_ =	task.clear_ibuf [dreg:s9], $0x2FFFF;
	_ =	strace $0x9FFFFFFF  }
0xc5: {  	(tm) =	ssettm $0x7FFFFFFF  }
tec
execute0_lowered:
.L_overlay_start_1:
0x0: {  	(tag) =	ssettag $0x1  }
0x1: {  	s0 =	rddreg [dreg:$0x0]  }
0x2: {  	s1 =	rddreg [dreg:$0x1]  }
0x3: {  	s2 =	rddreg [dreg:$0x2];
	s3 =	simm.s32 $0x0;
	s4 =	srdreg.scid  }
0x4: {  	s7 =	stileid.u32;
	s28 =	simm.s32 $0x9;
	s29 =	simm.s32 $0x3  }
0x5: {  	s30 =	simm.s32 $0xA;
	s31 =	simm.s32 $0x4;
	[smem:$0x7FF] =	sst s3  }
0x6: {  	s4 =	sand.u32 $0x1, s4;
	s5 =	sshll.u32 s7, $0x8;
	s7 =	sshll.u32 s7, $0xF  }
0x7: {  	_ =	strace $0x80000047;
	s6 =	sshll.u32 s4, $0x7;
	s8 =	sshll.u32 s4, $0xE  }
0x8: {  	s4 =	ssub.s32 $0x2, s4;
	s5 =	sor.u32 s6, s5;
	s9 =	sor.u32 s8, s7  }
0x9: {  	s10 =	sshrl.u32 s4, $0x1;
	s8 =	simm.s32 $0xC;
	s11 =	sadd.s32 s0, s5  }
0xa: {  	s12 =	sor.u32 $0x280000, s9;
	s4 =	ssub.s32 s4, s10;
	s5 =	sshll.u32 s5, $0x4  }
0xb: {  	s14 =	sor.u32 $0x200000, s9;
	s16 =	sor.u32 $0x180000, s9;
	s17 =	sor.u32 $0x100000, s9  }
0xc: {  	s21 =	sor.u32 $0x80000, s9;
	s23 =	sshrl.u32 s9, $0x3;
	s6 =	sor.u32 $0x300000, s9  }
0xd: {  	s9 =	simm.s32 $0x6;
	s10 =	simm.s32 $0xD;
	[dreg:$0xb] =	wrdreg s11  }
0xe: {  	s13 =	sadd.s32 $0x6000, s11;
	s0 =	sshrl.u32 s12, $0x3;
	s15 =	sshrl.u32 s14, $0x3  }
0xf: {  	s7 =	sshrl.u32 s16, $0x3;
	s19 =	sshrl.u32 s17, $0x3;
	s5 =	sadd.s32 s5, s2  }
0x10: {  	s22 =	sshrl.u32 s21, $0x3;
	s24 =	sadd.s32 s23, s2;
	s6 =	sshrl.u32 s6, $0x3  }
0x11: {  	s26 =	smax.u32 s4, $0x1;
	s12 =	simm.s32 $0x80;
	[dreg:$0xc] =	wrdreg s13  }
0x12: {  	s14 =	simm.s32 $0x5C00;
	s16 =	simm.s32 $0x9C00;
	[dreg:$0x9] =	wrdreg s24  }
0x13: {  	s23 =	simm.s32 $0x19C00;
	s0 =	sadd.s32 s0, s2;
	[dreg:$0xe] =	wrdreg s26  }
0x14: {  	s18 =	sadd.s32 s7, s2;
	s20 =	sadd.s32 s19, s2;
	[dreg:$0x4] =	wrdreg s0  }
0x15: {  	s5 =	sadd.s32 $0x310000, s5;
	s25 =	sadd.s32 s6, s2;
	[dreg:$0x6] =	wrdreg s18  }
0x16: {  	s13 =	simm.s32 $0x1C00;
	s24 =	simm.s32 $0x1;
	[dreg:$0x7] =	wrdreg s20  }
0x17: {  	s26 =	simm.s32 $0x2;
	s19 =	simm.s32 $0x0;
	[dreg:$0xd] =	wrdreg s5  }
0x18: {  	s0 =	sadd.s32 s15, s2;
	[dreg:$0xa] =	wrdreg s25;
	s18 =	simm.s32 $0xDC00  }
0x19: {  	s20 =	simm.s32 $0x11C00;
	s25 =	simm.s32 $0x8;
	s15 =	simm.s32 $0x7  }
0x1a: {  	[dreg:$0x5] =	wrdreg s0;
	s0 =	sadd.s32 s22, s2;
	s22 =	simm.s32 $0x15C00  }
0x1b: {  	s2 =	simm.s32 $0x5;
	[dreg:$0x8] =	wrdreg s0;
	s0 =	simm.s32 $0xB  }
.LBB2_1:
0x1c: {  	s4 =	rddreg [dreg:$0xb];
	s5 =	simm.s32 $0x400;
	s6 =	simm.s32 $0x8000  }
0x1d: {  	[tilespmem:s3], [sflag:$0xF] =	stream.strided.gather [hbm4b:s4+s5], $0x1800, s6, s5, $0x38;
	[tilespmem:$0x1DC00] =	vst v63  }
0x1e: {  	s11 =	rddreg [dreg:$0xc];
	s17 =	simm.s32 $0x1800;
	s21 =	simm.s32 $0xF  }
0x1f: {  	[tilespmem:s17], [sflag:$0xF] =	stream.linear.gather [hbm4b:s11+s3], $0x100, $0x38;
	[tilespmem:$0x1DC00] =	vst v63  }
0x20: {  	_ =	swait.ge [sflag:s21], $0x1900  }
0x21: {  	[sflag:s21] =	ssyncset.done $0x0  }
0x22: {  	[sflag:s21] =	ssyncadd.s32 $0xFFFFE700  }
0x23: {  	[tilespmem:s13], [sflag:$0x1] =	stream.indirect.gather [hbm4b:s1+s12], $0x80, s3, s12, $0xb8;
	[tilespmem:$0x1DC00] =	vst v63  }
0x24: {  	_ = 	snop  }
0x25: {  	[tilespmem:s14], [sflag:$0x2] =	stream.indirect.gather [hbm4b:s1+s12], $0x80, s12, s12, $0xb8;
	[tilespmem:$0x1DC00] =	vst v63  }
0x26: {  	s5 =	simm.s32 $0x100  }
0x27: {  	[tilespmem:s16], [sflag:$0x3] =	stream.indirect.gather [hbm4b:s1+s12], $0x80, s5, s12, $0xb8;
	[tilespmem:$0x1DC00] =	vst v63  }
0x28: {  	p0 =	por $0x1, $0x1;
	s6 =	simm.s32 $0x180  }
0x29: {  	[tilespmem:s18], [sflag:$0x4] =	stream.indirect.gather [hbm4b:s1+s12], $0x80, s6, s12, $0xb8;
	[tilespmem:$0x1DC00] =	vst v63  }
0x2a: {  	s7 =	simm.s32 $0x200;
	p0 =	por p0, p0  }
0x2b: {  	[tilespmem:s20], [sflag:$0x5] =	stream.indirect.gather [hbm4b:s1+s12], $0x80, s7, s12, $0xb8;
	[tilespmem:$0x1DC00] =	vst v63  }
0x2c: {  	s4 =	simm.s32 @!p0 $0xE;
	s11 =	simm.s32 $0x280  }
0x2d: {  	[tilespmem:s22], [sflag:$0x6] =	stream.indirect.gather [hbm4b:s1+s12], $0x80, s11, s12, $0xb8;
	[tilespmem:$0x1DC00] =	vst v63  }
0x2e: {  	_ =	swait.ge @!p0 [sflag:s4], $0x4000  }
0x2f: {  	[sflag:s4] =	ssyncset.done @!p0 $0x0  }
0x30: {  	s17 =	simm.s32 $0x300;
	[sflag:s4] =	ssyncadd.s32 @!p0 $0xFFFFC000  }
0x31: {  	[tilespmem:s23], [sflag:$0x7] =	stream.indirect.gather [hbm4b:s1+s12], $0x80, s17, s12, $0xb8;
	[tilespmem:$0x1DC00] =	vst v63  }
0x32: {  	_ =	swait.ge [sflag:s24], $0x4000  }
0x33: {  	s21 =	rddreg [dreg:$0x9];
	[sflag:s24] =	ssyncset.done $0x0  }
0x34: {  	[sflag:s24] =	ssyncadd.s32 $0xFFFFC000;
	s4 =	sadd.s32 $0x0, s21  }
0x35: {  	[hbm4b:s4+s3] =	stream.linear.scatter [tilespmem:s13], [sflag:$0x8], $0x4000, $0x38;
	[tilespmem:$0x1DC00] =	vst v63  }
0x36: {  	_ =	swait.ge [sflag:s25], $0x4000  }
0x37: {  	[sflag:s25] =	ssyncset.done $0x0  }
0x38: {  	s5 =	simm.s32 $0x380;
	[sflag:s25] =	ssyncadd.s32 $0xFFFFC000  }
0x39: {  	[tilespmem:s13], [sflag:$0x1] =	stream.indirect.gather [hbm4b:s1+s12], $0x80, s5, s12, $0xb8;
	[tilespmem:$0x1DC00] =	vst v63  }
0x3a: {  	_ =	swait.ge [sflag:s26], $0x4000  }
0x3b: {  	s6 =	rddreg [dreg:$0x8];
	[sflag:s26] =	ssyncset.done $0x0  }
0x3c: {  	[sflag:s26] =	ssyncadd.s32 $0xFFFFC000;
	s4 =	sadd.s32 $0x0, s6  }
0x3d: {  	[hbm4b:s4+s3] =	stream.linear.scatter [tilespmem:s14], [sflag:$0x9], $0x4000, $0x38;
	[tilespmem:$0x1DC00] =	vst v63  }
0x3e: {  	p0 =	por $0x0, $0x0;
	_ =	swait.ge [sflag:s28], $0x4000  }
0x3f: {  	s5 =	simm.s32 @!p0 $0x80;
	[sflag:s28] =	ssyncset.done $0x0  }
0x40: {  	s6 =	simm.s32 @!p0 $0x5C00;
	s4 =	simm.s32 @!p0 $0x400;
	[sflag:s28] =	ssyncadd.s32 $0xFFFFC000  }
0x41: {  	[tilespmem:s6], [sflag:$0x2] =	stream.indirect.gather @!p0 [hbm4b:s1+s5], $0x80, s4, s5, $0xb8;
	[tilespmem:$0x1DC00] =	vst v63  }
0x42: {  	_ =	swait.ge [sflag:s29], $0x4000  }
0x43: {  	s7 =	rddreg [dreg:$0x7];
	[sflag:s29] =	ssyncset.done $0x0  }
0x44: {  	[sflag:s29] =	ssyncadd.s32 $0xFFFFC000;
	s4 =	sadd.s32 $0x0, s7  }
0x45: {  	[hbm4b:s4+s3] =	stream.linear.scatter [tilespmem:s16], [sflag:$0xA], $0x4000, $0x38;
	[tilespmem:$0x1DC00] =	vst v63  }
0x46: {  	_ =	swait.ge [sflag:s30], $0x4000  }
0x47: {  	[sflag:s30] =	ssyncset.done $0x0  }
0x48: {  	s6 =	simm.s32 @!p0 $0x9C00;
	s4 =	simm.s32 @!p0 $0x480;
	[sflag:s30] =	ssyncadd.s32 $0xFFFFC000  }
0x49: {  	[tilespmem:s6], [sflag:$0x3] =	stream.indirect.gather @!p0 [hbm4b:s1+s5], $0x80, s4, s5, $0xb8;
	[tilespmem:$0x1DC00] =	vst v63  }
0x4a: {  	_ =	swait.ge [sflag:s31], $0x4000  }
0x4b: {  	s11 =	rddreg [dreg:$0x6];
	[sflag:s31] =	ssyncset.done $0x0  }
0x4c: {  	[sflag:s31] =	ssyncadd.s32 $0xFFFFC000;
	s4 =	sadd.s32 $0x0, s11  }
0x4d: {  	[hbm4b:s4+s3] =	stream.linear.scatter [tilespmem:s18], [sflag:$0xB], $0x4000, $0x38;
	[tilespmem:$0x1DC00] =	vst v63  }
0x4e: {  	_ =	swait.ge [sflag:s0], $0x4000  }
0x4f: {  	[sflag:s0] =	ssyncset.done $0x0  }
0x50: {  	s6 =	simm.s32 @!p0 $0xDC00;
	s4 =	simm.s32 @!p0 $0x500;
	[sflag:s0] =	ssyncadd.s32 $0xFFFFC000  }
0x51: {  	[tilespmem:s6], [sflag:$0x4] =	stream.indirect.gather @!p0 [hbm4b:s1+s5], $0x80, s4, s5, $0xb8;
	[tilespmem:$0x1DC00] =	vst v63  }
0x52: {  	_ =	swait.ge [sflag:s2], $0x4000  }
0x53: {  	s17 =	rddreg [dreg:$0x5];
	[sflag:s2] =	ssyncset.done $0x0  }
0x54: {  	[sflag:s2] =	ssyncadd.s32 $0xFFFFC000;
	s4 =	sadd.s32 $0x0, s17  }
0x55: {  	[hbm4b:s4+s3] =	stream.linear.scatter [tilespmem:s20], [sflag:$0xC], $0x4000, $0x38;
	[tilespmem:$0x1DC00] =	vst v63  }
0x56: {  	_ =	swait.ge [sflag:s8], $0x4000  }
0x57: {  	[sflag:s8] =	ssyncset.done $0x0  }
0x58: {  	s6 =	simm.s32 @!p0 $0x11C00;
	s4 =	simm.s32 @!p0 $0x580;
	[sflag:s8] =	ssyncadd.s32 $0xFFFFC000  }
0x59: {  	[tilespmem:s6], [sflag:$0x5] =	stream.indirect.gather @!p0 [hbm4b:s1+s5], $0x80, s4, s5, $0xb8;
	[tilespmem:$0x1DC00] =	vst v63  }
0x5a: {  	_ =	swait.ge [sflag:s9], $0x4000  }
0x5b: {  	s21 =	rddreg [dreg:$0x4];
	[sflag:s9] =	ssyncset.done $0x0  }
0x5c: {  	[sflag:s9] =	ssyncadd.s32 $0xFFFFC000;
	s4 =	sadd.s32 $0x0, s21  }
0x5d: {  	[hbm4b:s4+s3] =	stream.linear.scatter [tilespmem:s22], [sflag:$0xD], $0x4000, $0x38;
	[tilespmem:$0x1DC00] =	vst v63  }
0x5e: {  	_ =	swait.ge [sflag:s10], $0x4000  }
0x5f: {  	p6 =	por $0x0, $0x0;
	[sflag:s10] =	ssyncset.done $0x0  }
0x60: {  	s6 =	simm.s32 @!p0 $0x15C00;
	s4 =	simm.s32 @!p0 $0x600;
	[sflag:s10] =	ssyncadd.s32 $0xFFFFC000  }
0x61: {  	[tilespmem:s6], [sflag:$0x6] =	stream.indirect.gather @!p0 [hbm4b:s1+s5], $0x80, s4, s5, $0xb8;
	[tilespmem:$0x1DC00] =	vst v63  }
0x62: {  	s21 =	simm.s32 $0x70000;
	s4 =	simm.s32 $0xE0000;
	_ =	swait.ge [sflag:s15], $0x4000  }
0x63: {  	p0 =	por p6, p6;
	s5 =	simm.s32 $0x680;
	[sflag:s15] =	ssyncset.done $0x0  }
0x64: {  	s6 =	simm.s32 $0x0;
	s7 =	rddreg [dreg:$0xa];
	[sflag:s15] =	ssyncadd.s32 $0xFFFFC000  }
.LBB2_2:
0x65: {  	s11 =	simm.s32 @!p0 $0xE;
	s7 =	sadd.s32 s6, s7  }
0x66: {  	[hbm4b:s7+s3] =	stream.linear.scatter [tilespmem:s23], [sflag:$0xE], $0x4000, $0x38;
	[tilespmem:$0x1DC00] =	vst v63  }
0x67: {  	_ =	swait.ge @!p0 [sflag:s11], $0x4000  }
0x68: {  	[sflag:s11] =	ssyncset.done @!p0 $0x0  }
0x69: {  	[sflag:s11] =	ssyncadd.s32 @!p0 $0xFFFFC000  }
0x6a: {  	[tilespmem:s23], [sflag:$0x7] =	stream.indirect.gather [hbm4b:s1+s12], $0x80, s5, s12, $0xb8;
	[tilespmem:$0x1DC00] =	vst v63  }
0x6b: {  	_ =	swait.ge [sflag:s24], $0x4000  }
0x6c: {  	s6 =	smov.u32 s21;
	s11 =	rddreg [dreg:$0x9];
	[sflag:s24] =	ssyncset.done $0x0  }
0x6d: {  	[sflag:s24] =	ssyncadd.s32 $0xFFFFC000;
	s7 =	sadd.s32 s6, s11  }
0x6e: {  	[hbm4b:s7+s3] =	stream.linear.scatter [tilespmem:s13], [sflag:$0x8], $0x4000, $0x38;
	[tilespmem:$0x1DC00] =	vst v63  }
0x6f: {  	_ =	swait.ge [sflag:s25], $0x4000  }
0x70: {  	[sflag:s25] =	ssyncset.done $0x0  }
0x71: {  	s17 =	sadd.s32 $0x80, s5;
	[sflag:s25] =	ssyncadd.s32 $0xFFFFC000  }
0x72: {  	[tilespmem:s13], [sflag:$0x1] =	stream.indirect.gather [hbm4b:s1+s12], $0x80, s17, s12, $0xb8;
	[tilespmem:$0x1DC00] =	vst v63  }
0x73: {  	_ =	swait.ge [sflag:s26], $0x4000  }
0x74: {  	s11 =	rddreg [dreg:$0x8];
	[sflag:s26] =	ssyncset.done $0x0  }
0x75: {  	p2 =	seq.s32 s4, $0x0;
	[sflag:s26] =	ssyncadd.s32 $0xFFFFC000;
	s7 =	sadd.s32 s6, s11  }
0x76: {  	[hbm4b:s7+s3] =	stream.linear.scatter [tilespmem:s14], [sflag:$0x9], $0x4000, $0x38;
	[tilespmem:$0x1DC00] =	vst v63  }
0x77: {  	p0 =	por p2, p2;
	p2 =	seq.s32 s6, $0x2A0000;
	_ =	swait.ge [sflag:s28], $0x4000  }
0x78: {  	s17 =	simm.s32 @!p2 $0x5C00;
	[sflag:s28] =	ssyncset.done $0x0  }
0x79: {  	s11 =	sadd.s32 @!p2 $0x100, s5;
	s7 =	simm.s32 @!p2 $0x80;
	[sflag:s28] =	ssyncadd.s32 $0xFFFFC000  }
0x7a: {  	[tilespmem:s17], [sflag:$0x2] =	stream.indirect.gather @!p2 [hbm4b:s1+s7], $0x80, s11, s7, $0xb8;
	[tilespmem:$0x1DC00] =	vst v63  }
0x7b: {  	_ =	swait.ge [sflag:s29], $0x4000  }
0x7c: {  	s17 =	rddreg [dreg:$0x7];
	[sflag:s29] =	ssyncset.done $0x0  }
0x7d: {  	[sflag:s29] =	ssyncadd.s32 $0xFFFFC000;
	s11 =	sadd.s32 s6, s17  }
0x7e: {  	[hbm4b:s11+s3] =	stream.linear.scatter [tilespmem:s16], [sflag:$0xA], $0x4000, $0x38;
	[tilespmem:$0x1DC00] =	vst v63  }
0x7f: {  	_ =	swait.ge [sflag:s30], $0x4000  }
0x80: {  	[sflag:s30] =	ssyncset.done $0x0  }
0x81: {  	s17 =	simm.s32 @!p2 $0x9C00;
	s11 =	sadd.s32 @!p2 $0x180, s5;
	[sflag:s30] =	ssyncadd.s32 $0xFFFFC000  }
0x82: {  	[tilespmem:s17], [sflag:$0x3] =	stream.indirect.gather @!p2 [hbm4b:s1+s7], $0x80, s11, s7, $0xb8;
	[tilespmem:$0x1DC00] =	vst v63  }
0x83: {  	_ =	swait.ge [sflag:s31], $0x4000  }
0x84: {  	s17 =	rddreg [dreg:$0x6];
	[sflag:s31] =	ssyncset.done $0x0  }
0x85: {  	[sflag:s31] =	ssyncadd.s32 $0xFFFFC000;
	s11 =	sadd.s32 s6, s17  }
0x86: {  	[hbm4b:s11+s3] =	stream.linear.scatter [tilespmem:s18], [sflag:$0xB], $0x4000, $0x38;
	[tilespmem:$0x1DC00] =	vst v63  }
0x87: {  	_ =	swait.ge [sflag:s0], $0x4000  }
0x88: {  	[sflag:s0] =	ssyncset.done $0x0  }
0x89: {  	s17 =	simm.s32 @!p2 $0xDC00;
	s11 =	sadd.s32 @!p2 $0x200, s5;
	[sflag:s0] =	ssyncadd.s32 $0xFFFFC000  }
0x8a: {  	[tilespmem:s17], [sflag:$0x4] =	stream.indirect.gather @!p2 [hbm4b:s1+s7], $0x80, s11, s7, $0xb8;
	[tilespmem:$0x1DC00] =	vst v63  }
0x8b: {  	_ =	swait.ge [sflag:s2], $0x4000  }
0x8c: {  	s17 =	rddreg [dreg:$0x5];
	[sflag:s2] =	ssyncset.done $0x0  }
0x8d: {  	[sflag:s2] =	ssyncadd.s32 $0xFFFFC000;
	s11 =	sadd.s32 s6, s17  }
0x8e: {  	[hbm4b:s11+s3] =	stream.linear.scatter [tilespmem:s20], [sflag:$0xC], $0x4000, $0x38;
	[tilespmem:$0x1DC00] =	vst v63  }
0x8f: {  	_ =	swait.ge [sflag:s8], $0x4000  }
0x90: {  	[sflag:s8] =	ssyncset.done $0x0  }
0x91: {  	s17 =	simm.s32 @!p2 $0x11C00;
	s11 =	sadd.s32 @!p2 $0x280, s5;
	[sflag:s8] =	ssyncadd.s32 $0xFFFFC000  }
0x92: {  	[tilespmem:s17], [sflag:$0x5] =	stream.indirect.gather @!p2 [hbm4b:s1+s7], $0x80, s11, s7, $0xb8;
	[tilespmem:$0x1DC00] =	vst v63  }
0x93: {  	_ =	swait.ge [sflag:s9], $0x4000  }
0x94: {  	s17 =	rddreg [dreg:$0x4];
	[sflag:s9] =	ssyncset.done $0x0  }
0x95: {  	[sflag:s9] =	ssyncadd.s32 $0xFFFFC000;
	s11 =	sadd.s32 s6, s17  }
0x96: {  	[hbm4b:s11+s3] =	stream.linear.scatter [tilespmem:s22], [sflag:$0xD], $0x4000, $0x38;
	[tilespmem:$0x1DC00] =	vst v63  }
0x97: {  	s21 =	smov.u32 s4;
	s4 =	sadd.s32 $0x70000, s4;
	_ =	swait.ge [sflag:s10], $0x4000  }
0x98: {  	p1 =	sne.s32 s4, $0x310000;
	s17 =	simm.s32 @!p2 $0x15C00;
	[sflag:s10] =	ssyncset.done $0x0  }
.Ltmp0:
0x99: {  	s11 =	sadd.s32 @!p2 $0x300, s5;
	[sflag:s10] =	ssyncadd.s32 $0xFFFFC000;
	(pc) =	sbr.rel @p1 .LBB2_2-.Ltmp0, $4  }
0x9a: {  	[tilespmem:s17], [sflag:$0x6] =	stream.indirect.gather @!p2 [hbm4b:s1+s7], $0x80, s11, s7, $0xb8;
	[tilespmem:$0x1DC00] =	vst v63  }
0x9b: {  	_ =	swait.ge [sflag:s15], $0x4000  }
0x9c: {  	[sflag:s15] =	ssyncset.done $0x0  }
0x9d: {  	s5 =	sadd.s32 $0x380, s5;
	s7 =	rddreg [dreg:$0xa];
	[sflag:s15] =	ssyncadd.s32 $0xFFFFC000  }
0x9e: {  	s4 =	simm.s32 @!p0 $0xE;
	s6 =	sadd.s32 s6, s7  }
0x9f: {  	[hbm4b:s6+s3] =	stream.linear.scatter [tilespmem:s23], [sflag:$0xE], $0x4000, $0x38;
	[tilespmem:$0x1DC00] =	vst v63  }
0xa0: {  	_ =	swait.ge @!p0 [sflag:s4], $0x4000  }
0xa1: {  	[sflag:s4] =	ssyncset.done @!p0 $0x0  }
0xa2: {  	[sflag:s4] =	ssyncadd.s32 @!p0 $0xFFFFC000  }
0xa3: {  	[tilespmem:s23], [sflag:$0x7] =	stream.indirect.gather [hbm4b:s1+s12], $0x80, s5, s12, $0xb8;
	[tilespmem:$0x1DC00] =	vst v63  }
0xa4: {  	_ =	swait.ge [sflag:s24], $0x4000  }
0xa5: {  	s6 =	rddreg [dreg:$0x9];
	[sflag:s24] =	ssyncset.done $0x0  }
0xa6: {  	[sflag:s24] =	ssyncadd.s32 $0xFFFFC000;
	s4 =	sadd.s32 s21, s6  }
0xa7: {  	[hbm4b:s4+s3] =	stream.linear.scatter [tilespmem:s13], [sflag:$0x8], $0x4000, $0x38;
	[tilespmem:$0x1DC00] =	vst v63  }
0xa8: {  	_ =	swait.ge [sflag:s25], $0x4000  }
0xa9: {  	[sflag:s25] =	ssyncset.done $0x0  }
0xaa: {  	s7 =	sadd.s32 $0x80, s5;
	[sflag:s25] =	ssyncadd.s32 $0xFFFFC000  }
0xab: {  	[tilespmem:s13], [sflag:$0x1] =	stream.indirect.gather [hbm4b:s1+s12], $0x80, s7, s12, $0xb8;
	[tilespmem:$0x1DC00] =	vst v63  }
0xac: {  	_ =	swait.ge [sflag:s26], $0x4000  }
0xad: {  	s11 =	rddreg [dreg:$0x8];
	[sflag:s26] =	ssyncset.done $0x0  }
0xae: {  	[sflag:s26] =	ssyncadd.s32 $0xFFFFC000;
	s4 =	sadd.s32 s21, s11  }
0xaf: {  	[hbm4b:s4+s3] =	stream.linear.scatter [tilespmem:s14], [sflag:$0x9], $0x4000, $0x38;
	[tilespmem:$0x1DC00] =	vst v63  }
0xb0: {  	p0 =	seq.s32 s21, $0x2A0000;
	_ =	swait.ge [sflag:s28], $0x4000  }
0xb1: {  	s6 =	simm.s32 @!p0 $0x80;
	[sflag:s28] =	ssyncset.done $0x0  }
0xb2: {  	s7 =	simm.s32 @!p0 $0x5C00;
	s4 =	sadd.s32 @!p0 $0x100, s5;
	[sflag:s28] =	ssyncadd.s32 $0xFFFFC000  }
0xb3: {  	[tilespmem:s7], [sflag:$0x2] =	stream.indirect.gather @!p0 [hbm4b:s1+s6], $0x80, s4, s6, $0xb8;
	[tilespmem:$0x1DC00] =	vst v63  }
0xb4: {  	_ =	swait.ge [sflag:s29], $0x4000  }
0xb5: {  	s17 =	rddreg [dreg:$0x7];
	[sflag:s29] =	ssyncset.done $0x0  }
0xb6: {  	[sflag:s29] =	ssyncadd.s32 $0xFFFFC000;
	s4 =	sadd.s32 s21, s17  }
0xb7: {  	[hbm4b:s4+s3] =	stream.linear.scatter [tilespmem:s16], [sflag:$0xA], $0x4000, $0x38;
	[tilespmem:$0x1DC00] =	vst v63  }
0xb8: {  	_ =	swait.ge [sflag:s30], $0x4000  }
0xb9: {  	[sflag:s30] =	ssyncset.done $0x0  }
0xba: {  	s7 =	simm.s32 @!p0 $0x9C00;
	s4 =	sadd.s32 @!p0 $0x180, s5;
	[sflag:s30] =	ssyncadd.s32 $0xFFFFC000  }
0xbb: {  	[tilespmem:s7], [sflag:$0x3] =	stream.indirect.gather @!p0 [hbm4b:s1+s6], $0x80, s4, s6, $0xb8;
	[tilespmem:$0x1DC00] =	vst v63  }
0xbc: {  	_ =	swait.ge [sflag:s31], $0x4000  }
0xbd: {  	s7 =	rddreg [dreg:$0x6];
	[sflag:s31] =	ssyncset.done $0x0  }
0xbe: {  	[sflag:s31] =	ssyncadd.s32 $0xFFFFC000;
	s4 =	sadd.s32 s21, s7  }
0xbf: {  	[hbm4b:s4+s3] =	stream.linear.scatter [tilespmem:s18], [sflag:$0xB], $0x4000, $0x38;
	[tilespmem:$0x1DC00] =	vst v63  }
0xc0: {  	_ =	swait.ge [sflag:s0], $0x4000  }
0xc1: {  	[sflag:s0] =	ssyncset.done $0x0  }
0xc2: {  	s7 =	simm.s32 @!p0 $0xDC00;
	s4 =	sadd.s32 @!p0 $0x200, s5;
	[sflag:s0] =	ssyncadd.s32 $0xFFFFC000  }
0xc3: {  	[tilespmem:s7], [sflag:$0x4] =	stream.indirect.gather @!p0 [hbm4b:s1+s6], $0x80, s4, s6, $0xb8;
	[tilespmem:$0x1DC00] =	vst v63  }
0xc4: {  	_ =	swait.ge [sflag:s2], $0x4000  }
0xc5: {  	s11 =	rddreg [dreg:$0x5];
	[sflag:s2] =	ssyncset.done $0x0  }
0xc6: {  	[sflag:s2] =	ssyncadd.s32 $0xFFFFC000;
	s4 =	sadd.s32 s21, s11  }
0xc7: {  	[hbm4b:s4+s3] =	stream.linear.scatter [tilespmem:s20], [sflag:$0xC], $0x4000, $0x38;
	[tilespmem:$0x1DC00] =	vst v63  }
0xc8: {  	_ =	swait.ge [sflag:s8], $0x4000  }
0xc9: {  	[sflag:s8] =	ssyncset.done $0x0  }
0xca: {  	s7 =	simm.s32 @!p0 $0x11C00;
	s4 =	sadd.s32 @!p0 $0x280, s5;
	[sflag:s8] =	ssyncadd.s32 $0xFFFFC000  }
0xcb: {  	[tilespmem:s7], [sflag:$0x5] =	stream.indirect.gather @!p0 [hbm4b:s1+s6], $0x80, s4, s6, $0xb8;
	[tilespmem:$0x1DC00] =	vst v63  }
0xcc: {  	_ =	swait.ge [sflag:s9], $0x4000  }
0xcd: {  	s17 =	rddreg [dreg:$0x4];
	[sflag:s9] =	ssyncset.done $0x0  }
0xce: {  	[sflag:s9] =	ssyncadd.s32 $0xFFFFC000;
	s4 =	sadd.s32 s21, s17  }
0xcf: {  	[hbm4b:s4+s3] =	stream.linear.scatter [tilespmem:s22], [sflag:$0xD], $0x4000, $0x38;
	[tilespmem:$0x1DC00] =	vst v63  }
0xd0: {  	_ =	swait.ge [sflag:s10], $0x4000  }
0xd1: {  	[sflag:s10] =	ssyncset.done $0x0  }
0xd2: {  	s4 =	sadd.s32 @!p0 $0x300, s5;
	s5 =	simm.s32 @!p0 $0x15C00;
	[sflag:s10] =	ssyncadd.s32 $0xFFFFC000  }
0xd3: {  	[tilespmem:s5], [sflag:$0x6] =	stream.indirect.gather @!p0 [hbm4b:s1+s6], $0x80, s4, s6, $0xb8;
	[tilespmem:$0x1DC00] =	vst v63  }
0xd4: {  	_ =	swait.ge [sflag:s15], $0x4000  }
0xd5: {  	s7 =	rddreg [dreg:$0xa];
	[sflag:s15] =	ssyncset.done $0x0  }
0xd6: {  	s11 =	simm.s32 $0xE;
	s4 =	sadd.s32 s21, s7;
	[sflag:s15] =	ssyncadd.s32 $0xFFFFC000  }
0xd7: {  	[hbm4b:s4+s3] =	stream.linear.scatter [tilespmem:s23], [sflag:$0xE], $0x4000, $0x38;
	[tilespmem:$0x1DC00] =	vst v63  }
0xd8: {  	_ =	swait.ge [sflag:s11], $0x4000  }
0xd9: {  	[sflag:s11] =	ssyncset.done $0x0  }
0xda: {  	[sflag:s11] =	ssyncadd.s32 $0xFFFFC000  }
0xdb: {  	_ =	swait.ge [sflag:s24], $0x4000  }
0xdc: {  	[sflag:s24] =	ssyncset.done $0x0  }
0xdd: {  	s17 =	rddreg [dreg:$0xd];
	[sflag:s24] =	ssyncadd.s32 $0xFFFFC000  }
0xde: {  	[hbm4b:s17+s3] =	stream.linear.scatter [tilespmem:s13], [sflag:$0x8], $0x4000, $0x38;
	[tilespmem:$0x1DC00] =	vst v63  }
0xdf: {  	_ =	swait.ge [sflag:s25], $0x4000  }
0xe0: {  	s19 =	sadd.s32 $0x1, s19;
	s21 =	rddreg [dreg:$0xe]  }
0xe1: {  	p0 =	sne.s32 s19, s21  }
.Ltmp1:
0xe2: {  	_ = 	snop;
	(pc) =	sbr.rel @p0 .LBB2_1-.Ltmp1, $3  }
0xe3: {  	_ =	sdelay $0x1  }
0xe4: {  	[sflag:s25] =	ssyncset.done $0x0  }
0xe5: {  	[sflag:s25] =	ssyncadd.s32 $0xFFFFC000  }
0xe6: {  	_ =	sfence.sel $0x180000  }
0xe7: {  	[bflag:$0x0] =	sbarrier.arrive $0xFFFF  }
0xe8: {  	_ =	strace $0x90000047  }
0xe9: {  	s0 =	stileid.u32;
	[bflag:$0x2] =	sbarrier.arrive $0xFFFF  }
0xea: {  	p0 =	sne.s32 s0, $0x0;
	s0 =	rddreg [dreg:$0x3]  }
0xeb: {  	s0 =	sadd.s32 @!p0 $0x100000, s0  }
0xec: {  	[sflag:s0] =	ssyncadd.tile.s32 @!p0 $0x1;
	_ =	shalt  }
.Lfunc_end2:
_tile_overlayer_lowered:
.L_overlay_start_2:
0xed: {  	(tag) =	ssettag $0x2  }
0xee: {  	s0 =	rddreg [dreg:$0x0];
	s2 =	stileid.u32  }
0xef: {  	s1 =	rddreg [dreg:$0x1];
	p0 =	sne.s32 s2, $0x0  }
0xf0: {  	s3 =	rddreg [dreg:$0x2];
	[bflag:$0x3] =	sbarrier.arrive $0xFFFF;
	s2 =	simm.s32 @!p0 $0x1C10  }
0xf1: {  	[timem:s3], [sflag:s2] =	dma.local @!p0 [hbm:s0], s1  }
0xf2: {  	s0 =	simm.s32 @!p0 $0x10  }
0xf3: {  	_ =	swait.ge @!p0 [sflag:s0], s1  }
0xf4: {  	s1 =	ssub.s32 @!p0 $0x0, s1;
	[sflag:s0] =	ssyncset.done @!p0 $0x0  }
0xf5: {  	[sflag:s0] =	ssyncadd.s32 @!p0 s1  }
0xf6: {  	[bflag:$0x3] =	sbarrier.arrive $0xFFFF  }
0xf7: {  	_ =	shalt  }

</sc_bundles>
